<compile_context>
chip_gen: v7x
topology: tpu7x:2x2x1
jax: 0.10.2.dev20260603
libtpu: 0.0.44.dev20260713+nightly
codegen_flags: <defaults>
</compile_context>

<pallas_src>
import functools

import jax
import jax.numpy as jnp
from jax import lax
from jax.experimental import pallas as pl
from jax.experimental.pallas import tpu as pltpu
from jax.experimental.pallas import tpu_sc as plsc

_D = 33
_DD = _D * _D
_NLUT = 3 * _D * _DD
_B = 8
_PIX = 512 * 512
_NW = 32
_PPW = _PIX // _NW
_CH = 1024
_NCH = _PPW // _CH
_L = 16


def _tec_body(x_hbm, lut_hbm, out_hbm, lut_v, in0_v, in1_v, in2_v,
              o0_v, o1_v, o2_v):
    cid = lax.axis_index("c")
    sid = lax.axis_index("s")
    wid = sid * 2 + cid
    pltpu.sync_copy(lut_hbm, lut_v)

    def per_chunk(i, _):
        b = i // _NCH
        t = i % _NCH
        off = wid * _PPW + t * _CH
        pltpu.sync_copy(x_hbm.at[b, 0, pl.ds(off, _CH)], in0_v)
        pltpu.sync_copy(x_hbm.at[b, 1, pl.ds(off, _CH)], in1_v)
        pltpu.sync_copy(x_hbm.at[b, 2, pl.ds(off, _CH)], in2_v)

        def group(g, _):
            s = pl.ds(g * _L, _L)
            cx = jnp.clip(in0_v[s] * float(_D - 1), 0.0, float(_D - 1))
            cy = jnp.clip(in1_v[s] * float(_D - 1), 0.0, float(_D - 1))
            cz = jnp.clip(in2_v[s] * float(_D - 1), 0.0, float(_D - 1))
            x0i = cx.astype(jnp.int32)
            y0i = cy.astype(jnp.int32)
            z0i = cz.astype(jnp.int32)
            wx = cx - x0i.astype(jnp.float32)
            wy = cy - y0i.astype(jnp.float32)
            wz = cz - z0i.astype(jnp.float32)
            x1i = jnp.minimum(x0i + 1, _D - 1)
            y1i = jnp.minimum(y0i + 1, _D - 1)
            z1i = jnp.minimum(z0i + 1, _D - 1)
            ux, uy, uz = 1.0 - wx, 1.0 - wy, 1.0 - wz
            b00 = z0i * _DD + y0i * _D
            b01 = z0i * _DD + y1i * _D
            b10 = z1i * _DD + y0i * _D
            b11 = z1i * _DD + y1i * _D
            w00, w01 = uz * uy, uz * wy
            w10, w11 = wz * uy, wz * wy
            corners = (
                (b00 + x0i, w00 * ux), (b00 + x1i, w00 * wx),
                (b01 + x0i, w01 * ux), (b01 + x1i, w01 * wx),
                (b10 + x0i, w10 * ux), (b10 + x1i, w10 * wx),
                (b11 + x0i, w11 * ux), (b11 + x1i, w11 * wx),
            )
            for ch, o_v in ((0, o0_v), (1, o1_v), (2, o2_v)):
                acc = jnp.zeros((_L,), jnp.float32)
                for idx, w in corners:
                    v = plsc.load_gather(lut_v, [idx + ch * (_D * _DD)])
                    acc = acc + v * w
                o_v[s] = acc
            return _

        lax.fori_loop(0, _CH // _L, group, 0)
        pltpu.sync_copy(o0_v, out_hbm.at[b, 0, pl.ds(off, _CH)])
        pltpu.sync_copy(o1_v, out_hbm.at[b, 1, pl.ds(off, _CH)])
        pltpu.sync_copy(o2_v, out_hbm.at[b, 2, pl.ds(off, _CH)])
        return _

    lax.fori_loop(0, _B * _NCH, per_chunk, 0)


_sc_call = functools.partial(
    pl.kernel,
    out_type=jax.ShapeDtypeStruct((_B, 3, _PIX), jnp.float32),
    mesh=plsc.VectorSubcoreMesh(core_axis_name="c", subcore_axis_name="s"),
    compiler_params=pltpu.CompilerParams(
        use_tc_tiling_on_sc=False, needs_layout_passes=False),
    scratch_types=[
        pltpu.VMEM((_NLUT,), jnp.float32),
        pltpu.VMEM((_CH,), jnp.float32),
        pltpu.VMEM((_CH,), jnp.float32),
        pltpu.VMEM((_CH,), jnp.float32),
        pltpu.VMEM((_CH,), jnp.float32),
        pltpu.VMEM((_CH,), jnp.float32),
        pltpu.VMEM((_CH,), jnp.float32),
    ],
)(_tec_body)


def kernel(x, LUT):
    B, C, H, W = x.shape
    xf = x.reshape(B, C, H * W)
    lutf = LUT.reshape(_NLUT)
    out = _sc_call(xf, lutf)
    return out.reshape(B, C, H, W)

# --- scband reference (transcript-rebuilt; emitter-appended) ---
"""Pipeline reference for scband-generator3-dlut-identity-20598663152391 (READ-ONLY COPY).

The authoritative reference and input builder live on the scoring server;
editing this copy changes nothing except your own understanding.
"""

import jax, jax.numpy as jnp
import numpy as np

DIM = 33

def _make_lut(dim):
    g = jnp.arange(dim, dtype=jnp.float32) / (dim - 1)
    i, j, k = jnp.meshgrid(g, g, g, indexing='ij')
    return jnp.stack([i, j, k], axis=0)  # [3, D, D, D], matches identity LUT buffer


def _trilinear(LUT, x):
    # LUT: [3, D, D, D]; x: [B, 3, H, W] in [0, 1]
    # Faithful to F.grid_sample(lut[None], grid, mode='bilinear', padding_mode='border', align_corners=True)
    # where grid = ((x - 0.5) * 2).permute(0,2,3,1)[:, None]  -> channel0 = grid x -> W axis (last),
    # channel1 = grid y -> H axis, channel2 = grid z -> D axis.
    D = LUT.shape[1]
    g = (x - 0.5) * 2.0  # [-1, 1]
    # align_corners=True unnormalization
    coord = (g + 1.0) * 0.5 * (D - 1)
    # padding_mode='border' -> clamp coordinates
    coord = jnp.clip(coord, 0.0, float(D - 1))
    cx = coord[:, 0]  # -> last LUT spatial axis
    cy = coord[:, 1]  # -> middle LUT spatial axis
    cz = coord[:, 2]  # -> first LUT spatial axis
    x0 = jnp.floor(cx); y0 = jnp.floor(cy); z0 = jnp.floor(cz)
    wx = cx - x0; wy = cy - y0; wz = cz - z0
    x0i = x0.astype(jnp.int32); y0i = y0.astype(jnp.int32); z0i = z0.astype(jnp.int32)
    x1i = jnp.clip(x0i + 1, 0, D - 1)
    y1i = jnp.clip(y0i + 1, 0, D - 1)
    z1i = jnp.clip(z0i + 1, 0, D - 1)

    def corner(zi, yi, xi):
        return LUT[:, zi, yi, xi]  # [3, B, H, W] via gather

    out = (corner(z0i, y0i, x0i) * (1 - wz) * (1 - wy) * (1 - wx)
         + corner(z0i, y0i, x1i) * (1 - wz) * (1 - wy) * wx
         + corner(z0i, y1i, x0i) * (1 - wz) * wy * (1 - wx)
         + corner(z0i, y1i, x1i) * (1 - wz) * wy * wx
         + corner(z1i, y0i, x0i) * wz * (1 - wy) * (1 - wx)
         + corner(z1i, y0i, x1i) * wz * (1 - wy) * wx
         + corner(z1i, y1i, x0i) * wz * wy * (1 - wx)
         + corner(z1i, y1i, x1i) * wz * wy * wx)
    # [3, B, H, W] -> [B, 3, H, W]  (matches result[:, :, 0, :, :] of grid_sample)
    return jnp.transpose(out, (1, 0, 2, 3))


def setup_inputs(seed: int = 0) -> dict:
    key = jax.random.key(seed)
    x = jax.random.uniform(key, (8, 3, 512, 512), dtype=jnp.float32)
    LUT = _make_lut(DIM)
    return {"x": x, "LUT": LUT}


def reference(x, LUT):
    return _trilinear(LUT, x)

if __name__ == "__main__":
    import jax
    _d = setup_inputs()
    print(jax.jit(kernel)(*tuple(_d.values())))

</pallas_src>

<mosaic_0001>
#map = affine_map<(d0, d1) -> (0, 0, 0)>
#map1 = affine_map<(d0, d1) -> (0)>
module attributes {stable_mosaic.version = 14 : i64} {
  func.func @_tec_body(%arg0: i32, %arg1: i32, %arg2: memref<8x3x262144xf32, #tpu.memory_space<hbm>>, %arg3: memref<107811xf32, #tpu.memory_space<hbm>>, %arg4: memref<8x3x262144xf32, #tpu.memory_space<hbm>>, %arg5: memref<107811xf32, #tpu.memory_space<vmem>>, %arg6: memref<1024xf32, #tpu.memory_space<vmem>>, %arg7: memref<1024xf32, #tpu.memory_space<vmem>>, %arg8: memref<1024xf32, #tpu.memory_space<vmem>>, %arg9: memref<1024xf32, #tpu.memory_space<vmem>>, %arg10: memref<1024xf32, #tpu.memory_space<vmem>>, %arg11: memref<1024xf32, #tpu.memory_space<vmem>>) attributes {dimension_semantics = [#tpu.dimension_semantics<core_parallel>, #tpu.dimension_semantics<subcore_parallel>], iteration_bounds = array<i64: 2, 16>, scalar_prefetch = 0 : i64, scratch_operands = 7 : i64, tpu.core_type = #tpu.core_type<sc_vector_subcore>, window_params = [{transform_indices = #map}, {transform_indices = #map1}, {transform_indices = #map}]} {
    %mul3A = arith.constant 2 : i32
    %mul3A_0 = arith.muli %arg1, %mul3A : i32
    %add3A = arith.addi %mul3A_0, %arg0 : i32
    "tpu.region"() ({
      %run_scoped3A = tpu.sem_alloc : memref<!tpu.dma_semaphore, #tpu.memory_space<semaphore_mem>>
      tpu.enqueue_dma source(%arg3 : memref<107811xf32, #tpu.memory_space<hbm>>) target(%arg5 : memref<107811xf32, #tpu.memory_space<vmem>>) target_semaphore(%run_scoped3A : memref<!tpu.dma_semaphore, #tpu.memory_space<semaphore_mem>>)
      tpu.wait_dma2 semaphore(%run_scoped3A : memref<!tpu.dma_semaphore, #tpu.memory_space<semaphore_mem>>) src(%arg3 : memref<107811xf32, #tpu.memory_space<hbm>>) dst(%arg5 : memref<107811xf32, #tpu.memory_space<vmem>>)
      tpu.yield
    }) : () -> ()
    %scan3A = arith.constant 0 : i32
    %scan3A_1 = arith.constant 0 : i32
    %scan3A_2 = arith.constant 64 : i32
    %scan3A_3 = arith.addi %scan3A_1, %scan3A_2 : i32
    %scan3A_4 = arith.constant 1 : i32
    scf.for %scan3A_6 = %scan3A_1 to %scan3A_3 step %scan3A_4  : i32 {
      %jit3A = arith.constant 8 : i32
      %div3A = arith.divsi %scan3A_6, %jit3A : i32
      %sign3A = arith.constant 0 : i32
      %sign3A_7 = arith.cmpi sgt, %scan3A_6, %sign3A : i32
      %sign3A_8 = arith.extui %sign3A_7 : i1 to i32
      %sign3A_9 = arith.constant 0 : i32
      %sign3A_10 = arith.cmpi slt, %scan3A_6, %sign3A_9 : i32
      %sign3A_11 = arith.extui %sign3A_10 : i1 to i32
      %sign3A_12 = arith.subi %sign3A_8, %sign3A_11 : i32
      %sign3A_13 = arith.constant 0 : i32
      %sign3A_14 = arith.cmpi sgt, %jit3A, %sign3A_13 : i32
      %sign3A_15 = arith.extui %sign3A_14 : i1 to i32
      %sign3A_16 = arith.constant 0 : i32
      %sign3A_17 = arith.cmpi slt, %jit3A, %sign3A_16 : i32
      %sign3A_18 = arith.extui %sign3A_17 : i1 to i32
      %sign3A_19 = arith.subi %sign3A_15, %sign3A_18 : i32
      %ne3A = arith.cmpi ne, %sign3A_12, %sign3A_19 : i32
      %rem3A = arith.remsi %scan3A_6, %jit3A : i32
      %ne3A_20 = arith.constant 0 : i32
      %ne3A_21 = arith.cmpi ne, %rem3A, %ne3A_20 : i32
      %and3A = arith.andi %ne3A, %ne3A_21 : i1
      %sub3A = arith.constant 1 : i32
      %sub3A_22 = arith.subi %div3A, %sub3A : i32
      %select_n3A = arith.select %and3A, %sub3A_22, %div3A : i32
      %jit3A_23 = arith.constant 8 : i32
      %eq3A = arith.constant 0 : i32
      %eq3A_24 = arith.cmpi eq, %jit3A_23, %eq3A : i32
      %jit3A_25 = arith.constant 1 : i32
      %select_n3A_26 = arith.select %eq3A_24, %jit3A_25, %jit3A_23 : i32
      %rem3A_27 = arith.remsi %scan3A_6, %select_n3A_26 : i32
      %ne3A_28 = arith.constant 0 : i32
      %ne3A_29 = arith.cmpi ne, %rem3A_27, %ne3A_28 : i32
      %lt3A = arith.constant 0 : i32
      %lt3A_30 = arith.cmpi slt, %rem3A_27, %lt3A : i32
      %lt3A_31 = arith.constant 0 : i32
      %lt3A_32 = arith.cmpi slt, %select_n3A_26, %lt3A_31 : i32
      %ne3A_33 = arith.xori %lt3A_30, %lt3A_32 : i1
      %and3A_34 = arith.andi %ne3A_33, %ne3A_29 : i1
      %add3A_35 = arith.addi %rem3A_27, %select_n3A_26 : i32
      %select_n3A_36 = arith.select %and3A_34, %add3A_35, %rem3A_27 : i32
      %mul3A_37 = arith.constant 8192 : i32
      %mul3A_38 = arith.muli %add3A, %mul3A_37 : i32
      %mul3A_39 = arith.constant 1024 : i32
      %mul3A_40 = arith.muli %select_n3A_36, %mul3A_39 : i32
      %add3A_41 = arith.addi %mul3A_38, %mul3A_40 : i32
      %run_scoped3A = arith.constant 0 : i32
      "tpu.region"() ({
        %run_scoped3A_53 = tpu.sem_alloc : memref<!tpu.dma_semaphore, #tpu.memory_space<semaphore_mem>>
        %dma_start3A = tpu.memref_slice %arg2[%select_n3A, %run_scoped3A, %add3A_41] : memref<8x3x262144xf32, #tpu.memory_space<hbm>> -> memref<1x1x1024xf32, #tpu.memory_space<hbm>>
        %dma_start3A_54 = tpu.memref_squeeze %dma_start3A : memref<1x1x1024xf32, #tpu.memory_space<hbm>> -> memref<1024xf32, #tpu.memory_space<hbm>>
        %dma_start3A_55 = tpu.memref_slice %arg2[%select_n3A, %run_scoped3A, %add3A_41] : memref<8x3x262144xf32, #tpu.memory_space<hbm>> -> memref<1x1x1024xf32, #tpu.memory_space<hbm>>
        %dma_start3A_56 = tpu.memref_squeeze %dma_start3A_55 : memref<1x1x1024xf32, #tpu.memory_space<hbm>> -> memref<1024xf32, #tpu.memory_space<hbm>>
        tpu.enqueue_dma source(%dma_start3A_56 : memref<1024xf32, #tpu.memory_space<hbm>>) target(%arg6 : memref<1024xf32, #tpu.memory_space<vmem>>) target_semaphore(%run_scoped3A_53 : memref<!tpu.dma_semaphore, #tpu.memory_space<semaphore_mem>>)
        %dma_wait3A = tpu.memref_slice %arg2[%select_n3A, %run_scoped3A, %add3A_41] : memref<8x3x262144xf32, #tpu.memory_space<hbm>> -> memref<1x1x1024xf32, #tpu.memory_space<hbm>>
        %dma_wait3A_57 = tpu.memref_squeeze %dma_wait3A : memref<1x1x1024xf32, #tpu.memory_space<hbm>> -> memref<1024xf32, #tpu.memory_space<hbm>>
        %dma_wait3A_58 = tpu.memref_slice %arg2[%select_n3A, %run_scoped3A, %add3A_41] : memref<8x3x262144xf32, #tpu.memory_space<hbm>> -> memref<1x1x1024xf32, #tpu.memory_space<hbm>>
        %dma_wait3A_59 = tpu.memref_squeeze %dma_wait3A_58 : memref<1x1x1024xf32, #tpu.memory_space<hbm>> -> memref<1024xf32, #tpu.memory_space<hbm>>
        tpu.wait_dma2 semaphore(%run_scoped3A_53 : memref<!tpu.dma_semaphore, #tpu.memory_space<semaphore_mem>>) src(%dma_wait3A_59 : memref<1024xf32, #tpu.memory_space<hbm>>) dst(%arg6 : memref<1024xf32, #tpu.memory_space<vmem>>)
        tpu.yield
      }) : () -> ()
      %run_scoped3A_42 = arith.constant 1 : i32
      "tpu.region"() ({
        %run_scoped3A_53 = tpu.sem_alloc : memref<!tpu.dma_semaphore, #tpu.memory_space<semaphore_mem>>
        %dma_start3A = tpu.memref_slice %arg2[%select_n3A, %run_scoped3A_42, %add3A_41] : memref<8x3x262144xf32, #tpu.memory_space<hbm>> -> memref<1x1x1024xf32, #tpu.memory_space<hbm>>
        %dma_start3A_54 = tpu.memref_squeeze %dma_start3A : memref<1x1x1024xf32, #tpu.memory_space<hbm>> -> memref<1024xf32, #tpu.memory_space<hbm>>
        %dma_start3A_55 = tpu.memref_slice %arg2[%select_n3A, %run_scoped3A_42, %add3A_41] : memref<8x3x262144xf32, #tpu.memory_space<hbm>> -> memref<1x1x1024xf32, #tpu.memory_space<hbm>>
        %dma_start3A_56 = tpu.memref_squeeze %dma_start3A_55 : memref<1x1x1024xf32, #tpu.memory_space<hbm>> -> memref<1024xf32, #tpu.memory_space<hbm>>
        tpu.enqueue_dma source(%dma_start3A_56 : memref<1024xf32, #tpu.memory_space<hbm>>) target(%arg7 : memref<1024xf32, #tpu.memory_space<vmem>>) target_semaphore(%run_scoped3A_53 : memref<!tpu.dma_semaphore, #tpu.memory_space<semaphore_mem>>)
        %dma_wait3A = tpu.memref_slice %arg2[%select_n3A, %run_scoped3A_42, %add3A_41] : memref<8x3x262144xf32, #tpu.memory_space<hbm>> -> memref<1x1x1024xf32, #tpu.memory_space<hbm>>
        %dma_wait3A_57 = tpu.memref_squeeze %dma_wait3A : memref<1x1x1024xf32, #tpu.memory_space<hbm>> -> memref<1024xf32, #tpu.memory_space<hbm>>
        %dma_wait3A_58 = tpu.memref_slice %arg2[%select_n3A, %run_scoped3A_42, %add3A_41] : memref<8x3x262144xf32, #tpu.memory_space<hbm>> -> memref<1x1x1024xf32, #tpu.memory_space<hbm>>
        %dma_wait3A_59 = tpu.memref_squeeze %dma_wait3A_58 : memref<1x1x1024xf32, #tpu.memory_space<hbm>> -> memref<1024xf32, #tpu.memory_space<hbm>>
        tpu.wait_dma2 semaphore(%run_scoped3A_53 : memref<!tpu.dma_semaphore, #tpu.memory_space<semaphore_mem>>) src(%dma_wait3A_59 : memref<1024xf32, #tpu.memory_space<hbm>>) dst(%arg7 : memref<1024xf32, #tpu.memory_space<vmem>>)
        tpu.yield
      }) : () -> ()
      %run_scoped3A_43 = arith.constant 2 : i32
      "tpu.region"() ({
        %run_scoped3A_53 = tpu.sem_alloc : memref<!tpu.dma_semaphore, #tpu.memory_space<semaphore_mem>>
        %dma_start3A = tpu.memref_slice %arg2[%select_n3A, %run_scoped3A_43, %add3A_41] : memref<8x3x262144xf32, #tpu.memory_space<hbm>> -> memref<1x1x1024xf32, #tpu.memory_space<hbm>>
        %dma_start3A_54 = tpu.memref_squeeze %dma_start3A : memref<1x1x1024xf32, #tpu.memory_space<hbm>> -> memref<1024xf32, #tpu.memory_space<hbm>>
        %dma_start3A_55 = tpu.memref_slice %arg2[%select_n3A, %run_scoped3A_43, %add3A_41] : memref<8x3x262144xf32, #tpu.memory_space<hbm>> -> memref<1x1x1024xf32, #tpu.memory_space<hbm>>
        %dma_start3A_56 = tpu.memref_squeeze %dma_start3A_55 : memref<1x1x1024xf32, #tpu.memory_space<hbm>> -> memref<1024xf32, #tpu.memory_space<hbm>>
        tpu.enqueue_dma source(%dma_start3A_56 : memref<1024xf32, #tpu.memory_space<hbm>>) target(%arg8 : memref<1024xf32, #tpu.memory_space<vmem>>) target_semaphore(%run_scoped3A_53 : memref<!tpu.dma_semaphore, #tpu.memory_space<semaphore_mem>>)
        %dma_wait3A = tpu.memref_slice %arg2[%select_n3A, %run_scoped3A_43, %add3A_41] : memref<8x3x262144xf32, #tpu.memory_space<hbm>> -> memref<1x1x1024xf32, #tpu.memory_space<hbm>>
        %dma_wait3A_57 = tpu.memref_squeeze %dma_wait3A : memref<1x1x1024xf32, #tpu.memory_space<hbm>> -> memref<1024xf32, #tpu.memory_space<hbm>>
        %dma_wait3A_58 = tpu.memref_slice %arg2[%select_n3A, %run_scoped3A_43, %add3A_41] : memref<8x3x262144xf32, #tpu.memory_space<hbm>> -> memref<1x1x1024xf32, #tpu.memory_space<hbm>>
        %dma_wait3A_59 = tpu.memref_squeeze %dma_wait3A_58 : memref<1x1x1024xf32, #tpu.memory_space<hbm>> -> memref<1024xf32, #tpu.memory_space<hbm>>
        tpu.wait_dma2 semaphore(%run_scoped3A_53 : memref<!tpu.dma_semaphore, #tpu.memory_space<semaphore_mem>>) src(%dma_wait3A_59 : memref<1024xf32, #tpu.memory_space<hbm>>) dst(%arg8 : memref<1024xf32, #tpu.memory_space<vmem>>)
        tpu.yield
      }) : () -> ()
      %scan3A_44 = arith.constant 0 : i32
      %scan3A_45 = arith.constant 0 : i32
      %scan3A_46 = arith.constant 64 : i32
      %scan3A_47 = arith.addi %scan3A_45, %scan3A_46 : i32
      %scan3A_48 = arith.constant 1 : i32
      scf.for %scan3A_53 = %scan3A_45 to %scan3A_47 step %scan3A_48  : i32 {
        %mul3A_54 = arith.constant 16 : i32
        %mul3A_55 = arith.muli %scan3A_53, %mul3A_54 : i32
        %get3A = arith.index_cast %mul3A_55 : i32 to index
        %get3A_56 = tpu.vector_load %arg6[%get3A] {strides = array<i32>} : memref<1024xf32, #tpu.memory_space<vmem>>, vector<16xf32>,
        %mul3A_57 = arith.constant 3.200000e+01 : f32
        %mul3A_58 = vector.broadcast %mul3A_57 : f32 to vector<16xf32>
        %mul3A_59 = arith.mulf %get3A_56, %mul3A_58 : vector<16xf32>
        %jit3A_60 = arith.constant 0.000000e+00 : f32
        %jit3A_61 = arith.constant 3.200000e+01 : f32
        %max3A = vector.broadcast %jit3A_60 : f32 to vector<16xf32>
        %max3A_62 = arith.maximumf %max3A, %mul3A_59 : vector<16xf32>
        %min3A = vector.broadcast %jit3A_61 : f32 to vector<16xf32>
        %min3A_63 = arith.minimumf %min3A, %max3A_62 : vector<16xf32>
        %get3A_64 = arith.index_cast %mul3A_55 : i32 to index
        %get3A_65 = tpu.vector_load %arg7[%get3A_64] {strides = array<i32>} : memref<1024xf32, #tpu.memory_space<vmem>>, vector<16xf32>,
        %mul3A_66 = arith.constant 3.200000e+01 : f32
        %mul3A_67 = vector.broadcast %mul3A_66 : f32 to vector<16xf32>
        %mul3A_68 = arith.mulf %get3A_65, %mul3A_67 : vector<16xf32>
        %jit3A_69 = arith.constant 0.000000e+00 : f32
        %jit3A_70 = arith.constant 3.200000e+01 : f32
        %max3A_71 = vector.broadcast %jit3A_69 : f32 to vector<16xf32>
        %max3A_72 = arith.maximumf %max3A_71, %mul3A_68 : vector<16xf32>
        %min3A_73 = vector.broadcast %jit3A_70 : f32 to vector<16xf32>
        %min3A_74 = arith.minimumf %min3A_73, %max3A_72 : vector<16xf32>
        %get3A_75 = arith.index_cast %mul3A_55 : i32 to index
        %get3A_76 = tpu.vector_load %arg8[%get3A_75] {strides = array<i32>} : memref<1024xf32, #tpu.memory_space<vmem>>, vector<16xf32>,
        %mul3A_77 = arith.constant 3.200000e+01 : f32
        %mul3A_78 = vector.broadcast %mul3A_77 : f32 to vector<16xf32>
        %mul3A_79 = arith.mulf %get3A_76, %mul3A_78 : vector<16xf32>
        %jit3A_80 = arith.constant 0.000000e+00 : f32
        %jit3A_81 = arith.constant 3.200000e+01 : f32
        %max3A_82 = vector.broadcast %jit3A_80 : f32 to vector<16xf32>
        %max3A_83 = arith.maximumf %max3A_82, %mul3A_79 : vector<16xf32>
        %min3A_84 = vector.broadcast %jit3A_81 : f32 to vector<16xf32>
        %min3A_85 = arith.minimumf %min3A_84, %max3A_83 : vector<16xf32>
        %convert_element_type3A = arith.fptosi %min3A_63 : vector<16xf32> to vector<16xi32>
        %convert_element_type3A_86 = arith.fptosi %min3A_74 : vector<16xf32> to vector<16xi32>
        %convert_element_type3A_87 = arith.fptosi %min3A_85 : vector<16xf32> to vector<16xi32>
        %convert_element_type3A_88 = arith.sitofp %convert_element_type3A : vector<16xi32> to vector<16xf32>
        %sub3A_89 = arith.subf %min3A_63, %convert_element_type3A_88 : vector<16xf32>
        %convert_element_type3A_90 = arith.sitofp %convert_element_type3A_86 : vector<16xi32> to vector<16xf32>
        %sub3A_91 = arith.subf %min3A_74, %convert_element_type3A_90 : vector<16xf32>
        %convert_element_type3A_92 = arith.sitofp %convert_element_type3A_87 : vector<16xi32> to vector<16xf32>
        %sub3A_93 = arith.subf %min3A_85, %convert_element_type3A_92 : vector<16xf32>
        %add3A_94 = arith.constant 1 : i32
        %add3A_95 = vector.broadcast %add3A_94 : i32 to vector<16xi32>
        %add3A_96 = arith.addi %convert_element_type3A, %add3A_95 : vector<16xi32>
        %min3A_97 = arith.constant 32 : i32
        %min3A_98 = vector.broadcast %min3A_97 : i32 to vector<16xi32>
        %min3A_99 = arith.minsi %add3A_96, %min3A_98 : vector<16xi32>
        %add3A_100 = arith.constant 1 : i32
        %add3A_101 = vector.broadcast %add3A_100 : i32 to vector<16xi32>
        %add3A_102 = arith.addi %convert_element_type3A_86, %add3A_101 : vector<16xi32>
        %min3A_103 = arith.constant 32 : i32
        %min3A_104 = vector.broadcast %min3A_103 : i32 to vector<16xi32>
        %min3A_105 = arith.minsi %add3A_102, %min3A_104 : vector<16xi32>
        %add3A_106 = arith.constant 1 : i32
        %add3A_107 = vector.broadcast %add3A_106 : i32 to vector<16xi32>
        %add3A_108 = arith.addi %convert_element_type3A_87, %add3A_107 : vector<16xi32>
        %min3A_109 = arith.constant 32 : i32
        %min3A_110 = vector.broadcast %min3A_109 : i32 to vector<16xi32>
        %min3A_111 = arith.minsi %add3A_108, %min3A_110 : vector<16xi32>
        %sub3A_112 = arith.constant 1.000000e+00 : f32
        %sub3A_113 = vector.broadcast %sub3A_112 : f32 to vector<16xf32>
        %sub3A_114 = arith.subf %sub3A_113, %sub3A_89 : vector<16xf32>
        %sub3A_115 = arith.constant 1.000000e+00 : f32
        %sub3A_116 = vector.broadcast %sub3A_115 : f32 to vector<16xf32>
        %sub3A_117 = arith.subf %sub3A_116, %sub3A_91 : vector<16xf32>
        %sub3A_118 = arith.constant 1.000000e+00 : f32
        %sub3A_119 = vector.broadcast %sub3A_118 : f32 to vector<16xf32>
        %sub3A_120 = arith.subf %sub3A_119, %sub3A_93 : vector<16xf32>
        %mul3A_121 = arith.constant 1089 : i32
        %mul3A_122 = vector.broadcast %mul3A_121 : i32 to vector<16xi32>
        %mul3A_123 = arith.muli %convert_element_type3A_87, %mul3A_122 : vector<16xi32>
        %mul3A_124 = arith.constant 33 : i32
        %mul3A_125 = vector.broadcast %mul3A_124 : i32 to vector<16xi32>
        %mul3A_126 = arith.muli %convert_element_type3A_86, %mul3A_125 : vector<16xi32>
        %add3A_127 = arith.addi %mul3A_123, %mul3A_126 : vector<16xi32>
        %mul3A_128 = arith.constant 1089 : i32
        %mul3A_129 = vector.broadcast %mul3A_128 : i32 to vector<16xi32>
        %mul3A_130 = arith.muli %convert_element_type3A_87, %mul3A_129 : vector<16xi32>
        %mul3A_131 = arith.constant 33 : i32
        %mul3A_132 = vector.broadcast %mul3A_131 : i32 to vector<16xi32>
        %mul3A_133 = arith.muli %min3A_105, %mul3A_132 : vector<16xi32>
        %add3A_134 = arith.addi %mul3A_130, %mul3A_133 : vector<16xi32>
        %mul3A_135 = arith.constant 1089 : i32
        %mul3A_136 = vector.broadcast %mul3A_135 : i32 to vector<16xi32>
        %mul3A_137 = arith.muli %min3A_111, %mul3A_136 : vector<16xi32>
        %mul3A_138 = arith.constant 33 : i32
        %mul3A_139 = vector.broadcast %mul3A_138 : i32 to vector<16xi32>
        %mul3A_140 = arith.muli %convert_element_type3A_86, %mul3A_139 : vector<16xi32>
        %add3A_141 = arith.addi %mul3A_137, %mul3A_140 : vector<16xi32>
        %mul3A_142 = arith.constant 1089 : i32
        %mul3A_143 = vector.broadcast %mul3A_142 : i32 to vector<16xi32>
        %mul3A_144 = arith.muli %min3A_111, %mul3A_143 : vector<16xi32>
        %mul3A_145 = arith.constant 33 : i32
        %mul3A_146 = vector.broadcast %mul3A_145 : i32 to vector<16xi32>
        %mul3A_147 = arith.muli %min3A_105, %mul3A_146 : vector<16xi32>
        %add3A_148 = arith.addi %mul3A_144, %mul3A_147 : vector<16xi32>
        %mul3A_149 = arith.mulf %sub3A_120, %sub3A_117 : vector<16xf32>
        %mul3A_150 = arith.mulf %sub3A_120, %sub3A_91 : vector<16xf32>
        %mul3A_151 = arith.mulf %sub3A_93, %sub3A_117 : vector<16xf32>
        %mul3A_152 = arith.mulf %sub3A_93, %sub3A_91 : vector<16xf32>
        %add3A_153 = arith.addi %add3A_127, %convert_element_type3A : vector<16xi32>
        %mul3A_154 = arith.mulf %mul3A_149, %sub3A_114 : vector<16xf32>
        %add3A_155 = arith.addi %add3A_127, %min3A_99 : vector<16xi32>
        %mul3A_156 = arith.mulf %mul3A_149, %sub3A_89 : vector<16xf32>
        %add3A_157 = arith.addi %add3A_134, %convert_element_type3A : vector<16xi32>
        %mul3A_158 = arith.mulf %mul3A_150, %sub3A_114 : vector<16xf32>
        %add3A_159 = arith.addi %add3A_134, %min3A_99 : vector<16xi32>
        %mul3A_160 = arith.mulf %mul3A_150, %sub3A_89 : vector<16xf32>
        %add3A_161 = arith.addi %add3A_141, %convert_element_type3A : vector<16xi32>
        %mul3A_162 = arith.mulf %mul3A_151, %sub3A_114 : vector<16xf32>
        %add3A_163 = arith.addi %add3A_141, %min3A_99 : vector<16xi32>
        %mul3A_164 = arith.mulf %mul3A_151, %sub3A_89 : vector<16xf32>
        %add3A_165 = arith.addi %add3A_148, %convert_element_type3A : vector<16xi32>
        %mul3A_166 = arith.mulf %mul3A_152, %sub3A_114 : vector<16xf32>
        %add3A_167 = arith.addi %add3A_148, %min3A_99 : vector<16xi32>
        %mul3A_168 = arith.mulf %mul3A_152, %sub3A_89 : vector<16xf32>
        %broadcast_in_dim3A = arith.constant 0.000000e+00 : f32
        %broadcast_in_dim3A_169 = vector.broadcast %broadcast_in_dim3A : f32 to vector<16xf32>
        %add3A_170 = arith.constant 0 : i32
        %add3A_171 = vector.broadcast %add3A_170 : i32 to vector<16xi32>
        %add3A_172 = arith.addi %add3A_153, %add3A_171 : vector<16xi32>
        %gather3A = tpu.vector_load_idx %arg5[%add3A_172] : memref<107811xf32, #tpu.memory_space<vmem>>[vector<16xi32>], vector<16xf32>,
        %mul3A_173 = arith.mulf %gather3A, %mul3A_154 : vector<16xf32>
        %add3A_174 = arith.addf %broadcast_in_dim3A_169, %mul3A_173 : vector<16xf32>
        %add3A_175 = arith.constant 0 : i32
        %add3A_176 = vector.broadcast %add3A_175 : i32 to vector<16xi32>
        %add3A_177 = arith.addi %add3A_155, %add3A_176 : vector<16xi32>
        %gather3A_178 = tpu.vector_load_idx %arg5[%add3A_177] : memref<107811xf32, #tpu.memory_space<vmem>>[vector<16xi32>], vector<16xf32>,
        %mul3A_179 = arith.mulf %gather3A_178, %mul3A_156 : vector<16xf32>
        %add3A_180 = arith.addf %add3A_174, %mul3A_179 : vector<16xf32>
        %add3A_181 = arith.constant 0 : i32
        %add3A_182 = vector.broadcast %add3A_181 : i32 to vector<16xi32>
        %add3A_183 = arith.addi %add3A_157, %add3A_182 : vector<16xi32>
        %gather3A_184 = tpu.vector_load_idx %arg5[%add3A_183] : memref<107811xf32, #tpu.memory_space<vmem>>[vector<16xi32>], vector<16xf32>,
        %mul3A_185 = arith.mulf %gather3A_184, %mul3A_158 : vector<16xf32>
        %add3A_186 = arith.addf %add3A_180, %mul3A_185 : vector<16xf32>
        %add3A_187 = arith.constant 0 : i32
        %add3A_188 = vector.broadcast %add3A_187 : i32 to vector<16xi32>
        %add3A_189 = arith.addi %add3A_159, %add3A_188 : vector<16xi32>
        %gather3A_190 = tpu.vector_load_idx %arg5[%add3A_189] : memref<107811xf32, #tpu.memory_space<vmem>>[vector<16xi32>], vector<16xf32>,
        %mul3A_191 = arith.mulf %gather3A_190, %mul3A_160 : vector<16xf32>
        %add3A_192 = arith.addf %add3A_186, %mul3A_191 : vector<16xf32>
        %add3A_193 = arith.constant 0 : i32
        %add3A_194 = vector.broadcast %add3A_193 : i32 to vector<16xi32>
        %add3A_195 = arith.addi %add3A_161, %add3A_194 : vector<16xi32>
        %gather3A_196 = tpu.vector_load_idx %arg5[%add3A_195] : memref<107811xf32, #tpu.memory_space<vmem>>[vector<16xi32>], vector<16xf32>,
        %mul3A_197 = arith.mulf %gather3A_196, %mul3A_162 : vector<16xf32>
        %add3A_198 = arith.addf %add3A_192, %mul3A_197 : vector<16xf32>
        %add3A_199 = arith.constant 0 : i32
        %add3A_200 = vector.broadcast %add3A_199 : i32 to vector<16xi32>
        %add3A_201 = arith.addi %add3A_163, %add3A_200 : vector<16xi32>
        %gather3A_202 = tpu.vector_load_idx %arg5[%add3A_201] : memref<107811xf32, #tpu.memory_space<vmem>>[vector<16xi32>], vector<16xf32>,
        %mul3A_203 = arith.mulf %gather3A_202, %mul3A_164 : vector<16xf32>
        %add3A_204 = arith.addf %add3A_198, %mul3A_203 : vector<16xf32>
        %add3A_205 = arith.constant 0 : i32
        %add3A_206 = vector.broadcast %add3A_205 : i32 to vector<16xi32>
        %add3A_207 = arith.addi %add3A_165, %add3A_206 : vector<16xi32>
        %gather3A_208 = tpu.vector_load_idx %arg5[%add3A_207] : memref<107811xf32, #tpu.memory_space<vmem>>[vector<16xi32>], vector<16xf32>,
        %mul3A_209 = arith.mulf %gather3A_208, %mul3A_166 : vector<16xf32>
        %add3A_210 = arith.addf %add3A_204, %mul3A_209 : vector<16xf32>
        %add3A_211 = arith.constant 0 : i32
        %add3A_212 = vector.broadcast %add3A_211 : i32 to vector<16xi32>
        %add3A_213 = arith.addi %add3A_167, %add3A_212 : vector<16xi32>
        %gather3A_214 = tpu.vector_load_idx %arg5[%add3A_213] : memref<107811xf32, #tpu.memory_space<vmem>>[vector<16xi32>], vector<16xf32>,
        %mul3A_215 = arith.mulf %gather3A_214, %mul3A_168 : vector<16xf32>
        %add3A_216 = arith.addf %add3A_210, %mul3A_215 : vector<16xf32>
        %swap3A = arith.index_cast %mul3A_55 : i32 to index
        %swap3A_217 = tpu.vector_load %arg9[%swap3A] {strides = array<i32>} : memref<1024xf32, #tpu.memory_space<vmem>>, vector<16xf32>,
        tpu.vector_store %arg9[%swap3A], %add3A_216 {strides = array<i32>} : memref<1024xf32, #tpu.memory_space<vmem>>, vector<16xf32>,
        %broadcast_in_dim3A_218 = arith.constant 0.000000e+00 : f32
        %broadcast_in_dim3A_219 = vector.broadcast %broadcast_in_dim3A_218 : f32 to vector<16xf32>
        %add3A_220 = arith.constant 35937 : i32
        %add3A_221 = vector.broadcast %add3A_220 : i32 to vector<16xi32>
        %add3A_222 = arith.addi %add3A_153, %add3A_221 : vector<16xi32>
        %gather3A_223 = tpu.vector_load_idx %arg5[%add3A_222] : memref<107811xf32, #tpu.memory_space<vmem>>[vector<16xi32>], vector<16xf32>,
        %mul3A_224 = arith.mulf %gather3A_223, %mul3A_154 : vector<16xf32>
        %add3A_225 = arith.addf %broadcast_in_dim3A_219, %mul3A_224 : vector<16xf32>
        %add3A_226 = arith.constant 35937 : i32
        %add3A_227 = vector.broadcast %add3A_226 : i32 to vector<16xi32>
        %add3A_228 = arith.addi %add3A_155, %add3A_227 : vector<16xi32>
        %gather3A_229 = tpu.vector_load_idx %arg5[%add3A_228] : memref<107811xf32, #tpu.memory_space<vmem>>[vector<16xi32>], vector<16xf32>,
        %mul3A_230 = arith.mulf %gather3A_229, %mul3A_156 : vector<16xf32>
        %add3A_231 = arith.addf %add3A_225, %mul3A_230 : vector<16xf32>
        %add3A_232 = arith.constant 35937 : i32
        %add3A_233 = vector.broadcast %add3A_232 : i32 to vector<16xi32>
        %add3A_234 = arith.addi %add3A_157, %add3A_233 : vector<16xi32>
        %gather3A_235 = tpu.vector_load_idx %arg5[%add3A_234] : memref<107811xf32, #tpu.memory_space<vmem>>[vector<16xi32>], vector<16xf32>,
        %mul3A_236 = arith.mulf %gather3A_235, %mul3A_158 : vector<16xf32>
        %add3A_237 = arith.addf %add3A_231, %mul3A_236 : vector<16xf32>
        %add3A_238 = arith.constant 35937 : i32
        %add3A_239 = vector.broadcast %add3A_238 : i32 to vector<16xi32>
        %add3A_240 = arith.addi %add3A_159, %add3A_239 : vector<16xi32>
        %gather3A_241 = tpu.vector_load_idx %arg5[%add3A_240] : memref<107811xf32, #tpu.memory_space<vmem>>[vector<16xi32>], vector<16xf32>,
        %mul3A_242 = arith.mulf %gather3A_241, %mul3A_160 : vector<16xf32>
        %add3A_243 = arith.addf %add3A_237, %mul3A_242 : vector<16xf32>
        %add3A_244 = arith.constant 35937 : i32
        %add3A_245 = vector.broadcast %add3A_244 : i32 to vector<16xi32>
        %add3A_246 = arith.addi %add3A_161, %add3A_245 : vector<16xi32>
        %gather3A_247 = tpu.vector_load_idx %arg5[%add3A_246] : memref<107811xf32, #tpu.memory_space<vmem>>[vector<16xi32>], vector<16xf32>,
        %mul3A_248 = arith.mulf %gather3A_247, %mul3A_162 : vector<16xf32>
        %add3A_249 = arith.addf %add3A_243, %mul3A_248 : vector<16xf32>
        %add3A_250 = arith.constant 35937 : i32
        %add3A_251 = vector.broadcast %add3A_250 : i32 to vector<16xi32>
        %add3A_252 = arith.addi %add3A_163, %add3A_251 : vector<16xi32>
        %gather3A_253 = tpu.vector_load_idx %arg5[%add3A_252] : memref<107811xf32, #tpu.memory_space<vmem>>[vector<16xi32>], vector<16xf32>,
        %mul3A_254 = arith.mulf %gather3A_253, %mul3A_164 : vector<16xf32>
        %add3A_255 = arith.addf %add3A_249, %mul3A_254 : vector<16xf32>
        %add3A_256 = arith.constant 35937 : i32
        %add3A_257 = vector.broadcast %add3A_256 : i32 to vector<16xi32>
        %add3A_258 = arith.addi %add3A_165, %add3A_257 : vector<16xi32>
        %gather3A_259 = tpu.vector_load_idx %arg5[%add3A_258] : memref<107811xf32, #tpu.memory_space<vmem>>[vector<16xi32>], vector<16xf32>,
        %mul3A_260 = arith.mulf %gather3A_259, %mul3A_166 : vector<16xf32>
        %add3A_261 = arith.addf %add3A_255, %mul3A_260 : vector<16xf32>
        %add3A_262 = arith.constant 35937 : i32
        %add3A_263 = vector.broadcast %add3A_262 : i32 to vector<16xi32>
        %add3A_264 = arith.addi %add3A_167, %add3A_263 : vector<16xi32>
        %gather3A_265 = tpu.vector_load_idx %arg5[%add3A_264] : memref<107811xf32, #tpu.memory_space<vmem>>[vector<16xi32>], vector<16xf32>,
        %mul3A_266 = arith.mulf %gather3A_265, %mul3A_168 : vector<16xf32>
        %add3A_267 = arith.addf %add3A_261, %mul3A_266 : vector<16xf32>
        %swap3A_268 = arith.index_cast %mul3A_55 : i32 to index
        %swap3A_269 = tpu.vector_load %arg10[%swap3A_268] {strides = array<i32>} : memref<1024xf32, #tpu.memory_space<vmem>>, vector<16xf32>,
        tpu.vector_store %arg10[%swap3A_268], %add3A_267 {strides = array<i32>} : memref<1024xf32, #tpu.memory_space<vmem>>, vector<16xf32>,
        %broadcast_in_dim3A_270 = arith.constant 0.000000e+00 : f32
        %broadcast_in_dim3A_271 = vector.broadcast %broadcast_in_dim3A_270 : f32 to vector<16xf32>
        %add3A_272 = arith.constant 71874 : i32
        %add3A_273 = vector.broadcast %add3A_272 : i32 to vector<16xi32>
        %add3A_274 = arith.addi %add3A_153, %add3A_273 : vector<16xi32>
        %gather3A_275 = tpu.vector_load_idx %arg5[%add3A_274] : memref<107811xf32, #tpu.memory_space<vmem>>[vector<16xi32>], vector<16xf32>,
        %mul3A_276 = arith.mulf %gather3A_275, %mul3A_154 : vector<16xf32>
        %add3A_277 = arith.addf %broadcast_in_dim3A_271, %mul3A_276 : vector<16xf32>
        %add3A_278 = arith.constant 71874 : i32
        %add3A_279 = vector.broadcast %add3A_278 : i32 to vector<16xi32>
        %add3A_280 = arith.addi %add3A_155, %add3A_279 : vector<16xi32>
        %gather3A_281 = tpu.vector_load_idx %arg5[%add3A_280] : memref<107811xf32, #tpu.memory_space<vmem>>[vector<16xi32>], vector<16xf32>,
        %mul3A_282 = arith.mulf %gather3A_281, %mul3A_156 : vector<16xf32>
        %add3A_283 = arith.addf %add3A_277, %mul3A_282 : vector<16xf32>
        %add3A_284 = arith.constant 71874 : i32
        %add3A_285 = vector.broadcast %add3A_284 : i32 to vector<16xi32>
        %add3A_286 = arith.addi %add3A_157, %add3A_285 : vector<16xi32>
        %gather3A_287 = tpu.vector_load_idx %arg5[%add3A_286] : memref<107811xf32, #tpu.memory_space<vmem>>[vector<16xi32>], vector<16xf32>,
        %mul3A_288 = arith.mulf %gather3A_287, %mul3A_158 : vector<16xf32>
        %add3A_289 = arith.addf %add3A_283, %mul3A_288 : vector<16xf32>
        %add3A_290 = arith.constant 71874 : i32
        %add3A_291 = vector.broadcast %add3A_290 : i32 to vector<16xi32>
        %add3A_292 = arith.addi %add3A_159, %add3A_291 : vector<16xi32>
        %gather3A_293 = tpu.vector_load_idx %arg5[%add3A_292] : memref<107811xf32, #tpu.memory_space<vmem>>[vector<16xi32>], vector<16xf32>,
        %mul3A_294 = arith.mulf %gather3A_293, %mul3A_160 : vector<16xf32>
        %add3A_295 = arith.addf %add3A_289, %mul3A_294 : vector<16xf32>
        %add3A_296 = arith.constant 71874 : i32
        %add3A_297 = vector.broadcast %add3A_296 : i32 to vector<16xi32>
        %add3A_298 = arith.addi %add3A_161, %add3A_297 : vector<16xi32>
        %gather3A_299 = tpu.vector_load_idx %arg5[%add3A_298] : memref<107811xf32, #tpu.memory_space<vmem>>[vector<16xi32>], vector<16xf32>,
        %mul3A_300 = arith.mulf %gather3A_299, %mul3A_162 : vector<16xf32>
        %add3A_301 = arith.addf %add3A_295, %mul3A_300 : vector<16xf32>
        %add3A_302 = arith.constant 71874 : i32
        %add3A_303 = vector.broadcast %add3A_302 : i32 to vector<16xi32>
        %add3A_304 = arith.addi %add3A_163, %add3A_303 : vector<16xi32>
        %gather3A_305 = tpu.vector_load_idx %arg5[%add3A_304] : memref<107811xf32, #tpu.memory_space<vmem>>[vector<16xi32>], vector<16xf32>,
        %mul3A_306 = arith.mulf %gather3A_305, %mul3A_164 : vector<16xf32>
        %add3A_307 = arith.addf %add3A_301, %mul3A_306 : vector<16xf32>
        %add3A_308 = arith.constant 71874 : i32
        %add3A_309 = vector.broadcast %add3A_308 : i32 to vector<16xi32>
        %add3A_310 = arith.addi %add3A_165, %add3A_309 : vector<16xi32>
        %gather3A_311 = tpu.vector_load_idx %arg5[%add3A_310] : memref<107811xf32, #tpu.memory_space<vmem>>[vector<16xi32>], vector<16xf32>,
        %mul3A_312 = arith.mulf %gather3A_311, %mul3A_166 : vector<16xf32>
        %add3A_313 = arith.addf %add3A_307, %mul3A_312 : vector<16xf32>
        %add3A_314 = arith.constant 71874 : i32
        %add3A_315 = vector.broadcast %add3A_314 : i32 to vector<16xi32>
        %add3A_316 = arith.addi %add3A_167, %add3A_315 : vector<16xi32>
        %gather3A_317 = tpu.vector_load_idx %arg5[%add3A_316] : memref<107811xf32, #tpu.memory_space<vmem>>[vector<16xi32>], vector<16xf32>,
        %mul3A_318 = arith.mulf %gather3A_317, %mul3A_168 : vector<16xf32>
        %add3A_319 = arith.addf %add3A_313, %mul3A_318 : vector<16xf32>
        %swap3A_320 = arith.index_cast %mul3A_55 : i32 to index
        %swap3A_321 = tpu.vector_load %arg11[%swap3A_320] {strides = array<i32>} : memref<1024xf32, #tpu.memory_space<vmem>>, vector<16xf32>,
        tpu.vector_store %arg11[%swap3A_320], %add3A_319 {strides = array<i32>} : memref<1024xf32, #tpu.memory_space<vmem>>, vector<16xf32>,
      }
      %scan3A_49 = arith.constant 64 : i32
      %run_scoped3A_50 = arith.constant 0 : i32
      "tpu.region"() ({
        %run_scoped3A_53 = tpu.sem_alloc : memref<!tpu.dma_semaphore, #tpu.memory_space<semaphore_mem>>
        %dma_start3A = tpu.memref_slice %arg4[%select_n3A, %run_scoped3A_50, %add3A_41] : memref<8x3x262144xf32, #tpu.memory_space<hbm>> -> memref<1x1x1024xf32, #tpu.memory_space<hbm>>
        %dma_start3A_54 = tpu.memref_squeeze %dma_start3A : memref<1x1x1024xf32, #tpu.memory_space<hbm>> -> memref<1024xf32, #tpu.memory_space<hbm>>
        %dma_start3A_55 = tpu.memref_slice %arg4[%select_n3A, %run_scoped3A_50, %add3A_41] : memref<8x3x262144xf32, #tpu.memory_space<hbm>> -> memref<1x1x1024xf32, #tpu.memory_space<hbm>>
        %dma_start3A_56 = tpu.memref_squeeze %dma_start3A_55 : memref<1x1x1024xf32, #tpu.memory_space<hbm>> -> memref<1024xf32, #tpu.memory_space<hbm>>
        tpu.enqueue_dma source(%arg9 : memref<1024xf32, #tpu.memory_space<vmem>>) target(%dma_start3A_56 : memref<1024xf32, #tpu.memory_space<hbm>>) target_semaphore(%run_scoped3A_53 : memref<!tpu.dma_semaphore, #tpu.memory_space<semaphore_mem>>)
        %dma_wait3A = tpu.memref_slice %arg4[%select_n3A, %run_scoped3A_50, %add3A_41] : memref<8x3x262144xf32, #tpu.memory_space<hbm>> -> memref<1x1x1024xf32, #tpu.memory_space<hbm>>
        %dma_wait3A_57 = tpu.memref_squeeze %dma_wait3A : memref<1x1x1024xf32, #tpu.memory_space<hbm>> -> memref<1024xf32, #tpu.memory_space<hbm>>
        %dma_wait3A_58 = tpu.memref_slice %arg4[%select_n3A, %run_scoped3A_50, %add3A_41] : memref<8x3x262144xf32, #tpu.memory_space<hbm>> -> memref<1x1x1024xf32, #tpu.memory_space<hbm>>
        %dma_wait3A_59 = tpu.memref_squeeze %dma_wait3A_58 : memref<1x1x1024xf32, #tpu.memory_space<hbm>> -> memref<1024xf32, #tpu.memory_space<hbm>>
        tpu.wait_dma2 semaphore(%run_scoped3A_53 : memref<!tpu.dma_semaphore, #tpu.memory_space<semaphore_mem>>) src(%arg9 : memref<1024xf32, #tpu.memory_space<vmem>>) dst(%dma_wait3A_59 : memref<1024xf32, #tpu.memory_space<hbm>>)
        tpu.yield
      }) : () -> ()
      %run_scoped3A_51 = arith.constant 1 : i32
      "tpu.region"() ({
        %run_scoped3A_53 = tpu.sem_alloc : memref<!tpu.dma_semaphore, #tpu.memory_space<semaphore_mem>>
        %dma_start3A = tpu.memref_slice %arg4[%select_n3A, %run_scoped3A_51, %add3A_41] : memref<8x3x262144xf32, #tpu.memory_space<hbm>> -> memref<1x1x1024xf32, #tpu.memory_space<hbm>>
        %dma_start3A_54 = tpu.memref_squeeze %dma_start3A : memref<1x1x1024xf32, #tpu.memory_space<hbm>> -> memref<1024xf32, #tpu.memory_space<hbm>>
        %dma_start3A_55 = tpu.memref_slice %arg4[%select_n3A, %run_scoped3A_51, %add3A_41] : memref<8x3x262144xf32, #tpu.memory_space<hbm>> -> memref<1x1x1024xf32, #tpu.memory_space<hbm>>
        %dma_start3A_56 = tpu.memref_squeeze %dma_start3A_55 : memref<1x1x1024xf32, #tpu.memory_space<hbm>> -> memref<1024xf32, #tpu.memory_space<hbm>>
        tpu.enqueue_dma source(%arg10 : memref<1024xf32, #tpu.memory_space<vmem>>) target(%dma_start3A_56 : memref<1024xf32, #tpu.memory_space<hbm>>) target_semaphore(%run_scoped3A_53 : memref<!tpu.dma_semaphore, #tpu.memory_space<semaphore_mem>>)
        %dma_wait3A = tpu.memref_slice %arg4[%select_n3A, %run_scoped3A_51, %add3A_41] : memref<8x3x262144xf32, #tpu.memory_space<hbm>> -> memref<1x1x1024xf32, #tpu.memory_space<hbm>>
        %dma_wait3A_57 = tpu.memref_squeeze %dma_wait3A : memref<1x1x1024xf32, #tpu.memory_space<hbm>> -> memref<1024xf32, #tpu.memory_space<hbm>>
        %dma_wait3A_58 = tpu.memref_slice %arg4[%select_n3A, %run_scoped3A_51, %add3A_41] : memref<8x3x262144xf32, #tpu.memory_space<hbm>> -> memref<1x1x1024xf32, #tpu.memory_space<hbm>>
        %dma_wait3A_59 = tpu.memref_squeeze %dma_wait3A_58 : memref<1x1x1024xf32, #tpu.memory_space<hbm>> -> memref<1024xf32, #tpu.memory_space<hbm>>
        tpu.wait_dma2 semaphore(%run_scoped3A_53 : memref<!tpu.dma_semaphore, #tpu.memory_space<semaphore_mem>>) src(%arg10 : memref<1024xf32, #tpu.memory_space<vmem>>) dst(%dma_wait3A_59 : memref<1024xf32, #tpu.memory_space<hbm>>)
        tpu.yield
      }) : () -> ()
      %run_scoped3A_52 = arith.constant 2 : i32
      "tpu.region"() ({
        %run_scoped3A_53 = tpu.sem_alloc : memref<!tpu.dma_semaphore, #tpu.memory_space<semaphore_mem>>
        %dma_start3A = tpu.memref_slice %arg4[%select_n3A, %run_scoped3A_52, %add3A_41] : memref<8x3x262144xf32, #tpu.memory_space<hbm>> -> memref<1x1x1024xf32, #tpu.memory_space<hbm>>
        %dma_start3A_54 = tpu.memref_squeeze %dma_start3A : memref<1x1x1024xf32, #tpu.memory_space<hbm>> -> memref<1024xf32, #tpu.memory_space<hbm>>
        %dma_start3A_55 = tpu.memref_slice %arg4[%select_n3A, %run_scoped3A_52, %add3A_41] : memref<8x3x262144xf32, #tpu.memory_space<hbm>> -> memref<1x1x1024xf32, #tpu.memory_space<hbm>>
        %dma_start3A_56 = tpu.memref_squeeze %dma_start3A_55 : memref<1x1x1024xf32, #tpu.memory_space<hbm>> -> memref<1024xf32, #tpu.memory_space<hbm>>
        tpu.enqueue_dma source(%arg11 : memref<1024xf32, #tpu.memory_space<vmem>>) target(%dma_start3A_56 : memref<1024xf32, #tpu.memory_space<hbm>>) target_semaphore(%run_scoped3A_53 : memref<!tpu.dma_semaphore, #tpu.memory_space<semaphore_mem>>)
        %dma_wait3A = tpu.memref_slice %arg4[%select_n3A, %run_scoped3A_52, %add3A_41] : memref<8x3x262144xf32, #tpu.memory_space<hbm>> -> memref<1x1x1024xf32, #tpu.memory_space<hbm>>
        %dma_wait3A_57 = tpu.memref_squeeze %dma_wait3A : memref<1x1x1024xf32, #tpu.memory_space<hbm>> -> memref<1024xf32, #tpu.memory_space<hbm>>
        %dma_wait3A_58 = tpu.memref_slice %arg4[%select_n3A, %run_scoped3A_52, %add3A_41] : memref<8x3x262144xf32, #tpu.memory_space<hbm>> -> memref<1x1x1024xf32, #tpu.memory_space<hbm>>
        %dma_wait3A_59 = tpu.memref_squeeze %dma_wait3A_58 : memref<1x1x1024xf32, #tpu.memory_space<hbm>> -> memref<1024xf32, #tpu.memory_space<hbm>>
        tpu.wait_dma2 semaphore(%run_scoped3A_53 : memref<!tpu.dma_semaphore, #tpu.memory_space<semaphore_mem>>) src(%arg11 : memref<1024xf32, #tpu.memory_space<vmem>>) dst(%dma_wait3A_59 : memref<1024xf32, #tpu.memory_space<hbm>>)
        tpu.yield
      }) : () -> ()
    }
    %scan3A_5 = arith.constant 64 : i32
    return
  }
}

</mosaic_0001>

<sc_bundles>
// kernel: kernel.3.cloned.1.call-start
scs
__scs_entry_jumppad:
0x0: {  	(pc) =	sbr.rel $0x88, $3  }
0x1: {  	(tag) =	ssettag $0x0;
	lr =	simm.s32 $0x1  }
0x2: {  	[smem:$0x3F9F] =	sst lr;
	_ =	strace $0xD0000000  }
0x3: {  	_ = 	snop  }
0x4: {  	_ = 	snop  }
0x5: {  	_ = 	snop  }
0x6: {  	_ = 	snop  }
0x7: {  	_ = 	snop  }
__scs_overlays_trampoline_lowered:
0x8: {  	[smem:$0x3FAE] =	sst s0  }
0x9: {  	[smem:$0x3FAF] =	sst s1  }
0xa: {  	[smem:$0x3FB0] =	sst s2  }
0xb: {  	[smem:$0x3FB1] =	sst s3  }
0xc: {  	[smem:$0x3FB2] =	sst s4  }
0xd: {  	[smem:$0x3FB3] =	sst s5  }
0xe: {  	[smem:$0x3FB4] =	sst s6  }
0xf: {  	[smem:$0x3FB5] =	sst s7  }
0x10: {  	[smem:$0x3FB6] =	sst s8  }
0x11: {  	[smem:$0x3FB7] =	sst s9;
	s0 =	simm.s32 @!p0 $0x0  }
0x12: {  	s1 =	sld [smem:$0x3F9D];
	s0 =	simm.s32 @p0 $0x1  }
0x13: {  	[smem:$0x3FB8] =	sst s0;
	s0 =	simm.s32 @!p1 $0x0  }
0x14: {  	s2 =	sld [smem:$0x3F9C];
	s0 =	simm.s32 @p1 $0x1  }
0x15: {  	[smem:$0x3FB9] =	sst s0;
	s0 =	simm.s32 @!p2 $0x0  }
0x16: {  	s3 =	sld [smem:$0x3FDB];
	s0 =	simm.s32 @p2 $0x1  }
0x17: {  	s4 =	simm.s32 $0x1BF5;
	[smem:$0x3FBB] =	sst s0  }
0x18: {  	s0 =	sld [smem:$0x3F9E];
	_ =	swait.ge [sflag:s4], $0x0  }
0x19: {  	s7 =	sld [smem:$0x3F9F]  }
0x1a: {  	s8 =	sadd.s32 $0xFFFFE003, lr  }
0x1b: {  	s9 =	sadd.s32 $0xFFFFFEF7, lr;
	s5 =	simm.s32 $0xFFFFFFFF;
	p2 =	slt.u32 s8, $0xFFFFF086  }
0x1c: {  	p1 =	slt.u32 s9, $0xF7A;
	s5 =	simm.s32 @!p2 $0x0  }
0x1d: {  	s5 =	simm.s32 @p1 $0x1;
	p0 =	seq.s32 s7, s2  }
0x1e: {  	s7 =	smul.u32 @!p0 $0xF7A, s2;
	p2 =	seq.s32 @!p0 s5, $0x0  }
0x1f: {  	s9 =	smul.u32 $0xF7A, s1;
	s8 =	simm.s32 @!p0 $0x1BF5;
	p2 =	por !p2, p0  }
0x20: {  	[sflag:s8] =	ssyncset.s32 @!p0 $0xFFFFF086;
	s6 =	sadd.s32 @!p0 s3, s7;
	s7 =	simm.s32 @!p0 $0x108  }
0x21: {  	s3 =	sadd.s32 s3, s9;
	s6 =	sadd.s32 @!p0 $0x88, s6;
	s7 =	simm.s32 @p2 $0x1082  }
0x22: {  	[simem:s7], [sflag:s8] =	dma.local @!p0 [hbm:s6], $0xF7A  }
0x23: {  	s9 =	sor.u32 $0xD0000000, s2;
	s6 =	simm.s32 $0x108;
	_ =	swait.ge @!p0 [sflag:s8], $0x0  }
0x24: {  	s3 =	sadd.s32 $0x88, s3;
	s6 =	simm.s32 @!p1 $0x1082;
	[sflag:s4] =	ssyncset.s32 $0xFFFFF086  }
0x25: {  	[simem:s6], [sflag:s4] =	dma.local [hbm:s3], $0xF7A  }
0x26: {  	[smem:$0x3F9F] =	sst s1;
	(tag) =	ssettag s2;
	_ =	strace s9  }
0x27: {  	s1 =	sld [smem:$0x3FAF]  }
0x28: {  	s2 =	sld [smem:$0x3FB0]  }
0x29: {  	s4 =	sld [smem:$0x3FB2]  }
0x2a: {  	p0 =	seq.s32 s5, $0x0;
	s5 =	sld [smem:$0x3FB3]  }
0x2b: {  	s6 =	sld [smem:$0x3FB4]  }
0x2c: {  	s7 =	sld [smem:$0x3FB5]  }
0x2d: {  	s3 =	simm.s32 $0x108;
	s8 =	sld [smem:$0x3FB6]  }
0x2e: {  	s3 =	simm.s32 @!p0 $0x1082;
	s9 =	sld [smem:$0x3FB7]  }
0x2f: {  	lr =	sadd.s32 s0, s3;
	s0 =	sld [smem:$0x3FAE]  }
0x30: {  	s3 =	sld [smem:$0x3FB1]  }
0x31: {  	[smem:$0x3FBA] =	sst s10  }
0x32: {  	s10 =	sld [smem:$0x3FB8];
	_ =	sdelay $0x3  }
0x33: {  	p0 =	seq.s32 s10, $0x1;
	s10 =	sld [smem:$0x3FBA];
	_ =	sdelay $0x3  }
0x34: {  	[smem:$0x3FBA] =	sst s10  }
0x35: {  	s10 =	sld [smem:$0x3FB9];
	_ =	sdelay $0x3  }
0x36: {  	p1 =	seq.s32 s10, $0x1;
	s10 =	sld [smem:$0x3FBA];
	_ =	sdelay $0x3  }
0x37: {  	[smem:$0x3FBA] =	sst s10  }
0x38: {  	s10 =	sld [smem:$0x3FBB]  }
0x39: {  	_ = 	snop;
	(pc) =	sbr.ind lr, $3  }
0x3a: {  	_ = 	snop  }
0x3b: {  	_ = 	snop  }
0x3c: {  	p2 =	seq.s32 s10, $0x1;
	s10 =	sld [smem:$0x3FBA]  }
0x3d: {  	_ =	shalt  }
0x3e: {  	_ =	shalt  }
0x3f: {  	_ =	shalt  }
0x40: {  	_ =	shalt  }
0x41: {  	_ =	shalt  }
0x42: {  	_ =	shalt  }
0x43: {  	_ =	shalt  }
0x44: {  	_ =	shalt  }
0x45: {  	_ =	shalt  }
0x46: {  	_ =	shalt  }
0x47: {  	_ =	shalt  }
0x48: {  	_ =	shalt  }
0x49: {  	_ =	shalt  }
0x4a: {  	_ =	shalt  }
0x4b: {  	_ =	shalt  }
0x4c: {  	_ =	shalt  }
0x4d: {  	_ =	shalt  }
0x4e: {  	_ =	shalt  }
0x4f: {  	_ =	shalt  }
0x50: {  	_ =	shalt  }
0x51: {  	_ =	shalt  }
0x52: {  	_ =	shalt  }
0x53: {  	_ =	shalt  }
0x54: {  	_ =	shalt  }
0x55: {  	_ =	shalt  }
0x56: {  	_ =	shalt  }
0x57: {  	_ =	shalt  }
0x58: {  	_ =	shalt  }
0x59: {  	_ =	shalt  }
0x5a: {  	_ =	shalt  }
0x5b: {  	_ =	shalt  }
0x5c: {  	_ =	shalt  }
0x5d: {  	_ =	shalt  }
0x5e: {  	_ =	shalt  }
0x5f: {  	_ =	shalt  }
0x60: {  	_ =	shalt  }
0x61: {  	_ =	shalt  }
0x62: {  	_ =	shalt  }
0x63: {  	_ =	shalt  }
0x64: {  	_ =	shalt  }
0x65: {  	_ =	shalt  }
0x66: {  	_ =	shalt  }
0x67: {  	_ =	shalt  }
0x68: {  	_ =	shalt  }
0x69: {  	_ =	shalt  }
0x6a: {  	_ =	shalt  }
0x6b: {  	_ =	shalt  }
0x6c: {  	_ =	shalt  }
0x6d: {  	_ =	shalt  }
0x6e: {  	_ =	shalt  }
0x6f: {  	_ =	shalt  }
0x70: {  	_ =	shalt  }
0x71: {  	_ =	shalt  }
0x72: {  	_ =	shalt  }
0x73: {  	_ =	shalt  }
0x74: {  	_ =	shalt  }
0x75: {  	_ =	shalt  }
0x76: {  	_ =	shalt  }
0x77: {  	_ =	shalt  }
0x78: {  	_ =	shalt  }
0x79: {  	_ =	shalt  }
0x7a: {  	_ =	shalt  }
0x7b: {  	_ =	shalt  }
0x7c: {  	_ =	shalt  }
0x7d: {  	_ =	shalt  }
0x7e: {  	_ =	shalt  }
0x7f: {  	_ =	shalt  }
0x80: {  	_ =	shalt  }
0x81: {  	_ =	shalt  }
0x82: {  	_ =	shalt  }
0x83: {  	_ =	shalt  }
0x84: {  	_ =	shalt  }
0x85: {  	_ =	shalt  }
0x86: {  	_ =	shalt  }
0x87: {  	_ =	shalt  }
.Lfunc_end0:
.L_simem_size_0:
called_computation_lowered:
.L_overlay_start_0:
0x88: {  	s2 =	sld [smem:$0x3FD9]  }
0x89: {  	s3 =	sld [smem:$0x3FFE];
	_ =	sdelay $0x1  }
0x8a: {  	s1 =	srdreg.scid  }
0x8b: {  	s0 =	sand.u32 $0x1, s1  }
0x8c: {  	s17 =	sshll.u32 s0, $0xA;
	s2 =	sadd.s32 s3, s2  }
0x8d: {  	s2 =	sadd.s32 s2, s17  }
0x8e: {  	[smem:$0x3FC6] =	sst s2  }
0x8f: {  	_ = 	snop  }
0x90: {  	s2 =	sld [smem:$0x3FD0];
	(tm) =	ssettm $0x1  }
0x91: {  	s18 =	sld [smem:$0x3FFB];
	_ =	sdelay $0x3  }
0x92: {  	_ =	strace s18  }
0x93: {  	s3 =	sld [smem:$0x3FFC];
	_ =	sdelay $0x3  }
0x94: {  	_ =	strace s3  }
0x95: {  	s3 =	sld [smem:$0x3FFD];
	_ =	sdelay $0x3  }
0x96: {  	_ =	strace s3  }
0x97: {  	_ =	strace $0x8FFFFFFF  }
0x98: {  	s19 =	sld [smem:$0x3FDB];
	_ =	sdelay $0x1  }
0x99: {  	s4 =	simm.s32 $_scs_section_size  }
0x9a: {  	s5 =	simm.s32 $_size__tile_overlayer_lowered;
	s6 =	simm.s32 $_tile_overlayer_lowered  }
0x9b: {  	s22 =	simm.s32 $0x1BFF;
	s21 =	sshll.u32 s6, $0x1;
	s3 =	sadd.s32 s4, s19  }
0x9c: {  	s7 =	simm.s32 $0x0;
	s20 =	sshll.u32 s5, $0x1;
	s5 =	sadd.s32 s21, s3  }
0x9d: {  	[timem:s7], [sflag:s22] =	dma.local [hbm:s5], s20  }
0x9e: {  	_ =	swait.ge [sflag:s22], s20  }
0x9f: {  	s4 =	ssub.s32 $0x0, s20;
	[sflag:s22] =	ssyncset.done $0x0  }
0xa0: {  	[sflag:s22] =	ssyncadd.s32 s4;
	_ =	sdelay $0x1  }
0xa1: {  	s23 =	simm.s32 $0x1B8B  }
0xa2: {  	_ =	swait.ge [sflag:s23], $0x1  }
0xa3: {  	[sflag:s23] =	ssyncset.done $0x0  }
0xa4: {  	s25 =	simm.s32 $0x1B8E;
	s24 =	sld [smem:$0x3FFE];
	[sflag:s23] =	ssyncadd.s32 $0xFFFFFFFF  }
0xa5: {  	s26 =	simm.s32 $execute0_lowered;
	[smem:$0x3FD2] =	sst s25  }
0xa6: {  	s5 =	sshll.u32 s26, $0x1;
	_ =	strace $0x80000046;
	[dreg:$0x1] =	wrdreg $0xFFFFFFFF  }
0xa7: {  	s28 =	simm.s32 $_size_execute0_lowered;
	s3 =	sadd.s32 s3, s5;
	[dreg:$0x0] =	wrdreg $0x0  }
0xa8: {  	s5 =	sshll.u32 s28, $0x1;
	[dreg:$0x2] =	wrdreg s3  }
0xa9: {  	[dreg:$0x3] =	wrdreg s5  }
0xaa: {  	[dreg:$0x4] =	wrdreg $0xC0  }
0xab: {  	_ =	task [dreg:s7], $0x5FFFF  }
0xac: {  	[dreg:$0x1] =	wrdreg $0xFFFFFFFF  }
0xad: {  	[dreg:$0x0] =	wrdreg $0x60  }
0xae: {  	[dreg:$0x2] =	wrdreg s2  }
0xaf: {  	[dreg:$0x3] =	wrdreg s24  }
0xb0: {  	[dreg:$0x4] =	wrdreg $0x9  }
0xb1: {  	_ =	task.clear_ibuf [dreg:s7], $0x5FFFF;
	_ =	strace $0x90000046  }
0xb2: {  	s29 =	simm.s32 $0x9;
	_ =	strace $0x80000048  }
0xb3: {  	_ =	swait.ge [sflag:s29], $0x1  }
0xb4: {  	[sflag:s29] =	ssyncadd.s32 $0xFFFFFFFF  }
0xb5: {  	_ =	strace $0x90000048  }
0xb6: {  	_ =	sfence  }
0xb7: {  	s30 =	sld [smem:$0x0];
	_ =	sdelay $0x2  }
0xb8: {  	s31 =	sshll.u32 s1, $0xD;
	s1 =	sshrl.u32 s1, $0x2  }
0xb9: {  	s3 =	sand.u32 $0x4000, s31;
	s1 =	sadd.s32 s1, s30  }
0xba: {  	s0 =	sor.u32 s3, s0;
	s1 =	sshll.u32 s1, $0x11  }
0xbb: {  	s0 =	sor.u32 s1, s0  }
0xbc: {  	s0 =	sadd.s32 $0x8F2B, s0  }
0xbd: {  	[sflag:s0] =	ssyncadd.remote.s32 $0x1  }
0xbe: {  	_ =	sfence.sel $0xFFFF  }
0xbf: {  	[dreg:$0x0] =	wrdreg $0xFFFFFFFF;
	(pc) =	sbr.abs _section_cstart, $3  }
0xc0: {  	[dreg:$0x1] =	wrdreg $0xFFFFFFFF  }
0xc1: {  	_ =	task.clear_ibuf [dreg:s7], $0x2FFFF;
	_ =	strace $0x9FFFFFFF  }
0xc2: {  	(tm) =	ssettm $0x7FFFFFFF  }
0xc3: {  	_ =	shalt  }
tec
execute0_lowered:
.L_overlay_start_1:
0x0: {  	(tag) =	ssettag $0x1  }
0x1: {  	s1 =	rddreg [dreg:$0x0]  }
0x2: {  	s5 =	rddreg [dreg:$0x1]  }
0x3: {  	s0 =	rddreg [dreg:$0x2];
	s2 =	simm.s32 $0x0;
	s3 =	srdreg.scid  }
0x4: {  	s10 =	simm.s32 $0x1A928;
	s11 =	simm.s32 $0x1AD28;
	s12 =	simm.s32 $0x1B128  }
0x5: {  	s13 =	simm.s32 $0x1B528;
	s14 =	simm.s32 $0x1B928;
	s15 =	simm.s32 $0x0  }
0x6: {  	[smem:$0x7FF] =	sst s2;
	s6 =	sand.u32 $0x1, s3;
	s4 =	sadd.s32 $0x400, s5  }
0x7: {  	s3 =	stileid.u32;
	s5 =	sadd.s32 $0x3A00, s5;
	s7 =	ssub.s32 $0x2, s6  }
0x8: {  	s9 =	sshll.u32 s3, $0xE;
	s6 =	sshll.u32 s6, $0xD;
	s8 =	sshrl.u32 s7, $0x1  }
0x9: {  	_ =	strace $0x80000047;
	s6 =	sor.u32 s6, s9;
	s7 =	ssub.s32 s7, s8  }
0xa: {  	s9 =	simm.s32 $0x1A528;
	s8 =	simm.s32 $0x1;
	s7 =	smax.u32 s7, $0x1  }
.LBB2_1:
0xb: {  	[tilespmem:s2], [sflag:$0x1] =	stream.linear.gather [hbm4b:s4+s2], $0x1A528, $0x38;
	[tilespmem:$0x1BD28] =	vst v63  }
0xc: {  	_ =	swait.ge [sflag:s8], $0x1A528  }
0xd: {  	[sflag:s8] =	ssyncset.done $0x0  }
0xe: {  	s16 =	simm.s32 $0x0;
	[sflag:s8] =	ssyncadd.s32 $0xFFFE5AD8  }
.LBB2_2:
0xf: {  	s17 =	sshrl.u32 s16, $0x3;
	s18 =	sshll.u32 s16, $0xA  }
0x10: {  	s18 =	sand.u32 $0x1C00, s18;
	s17 =	smul.u32 $0xC0000, s17  }
0x11: {  	s18 =	sor.u32 s6, s18  }
0x12: {  	s17 =	sor.u32 s17, s18  }
0x13: {  	s17 =	sshrl.u32 s17, $0x3  }
0x14: {  	s20 =	simm.s32 $0x0;
	s31 =	sadd.s32 s1, s17  }
0x15: {  	[tilespmem:s9], [sflag:$0x1] =	stream.linear.gather [hbm4b:s31+s20], $0x400, $0x38;
	[tilespmem:$0x1BD28] =	vst v63  }
0x16: {  	_ =	swait.ge [sflag:s8], $0x400  }
0x17: {  	s18 =	sadd.s32 $0x8000, s17;
	[sflag:s8] =	ssyncset.done $0x0  }
0x18: {  	s19 =	sadd.s32 s1, s18;
	[sflag:s8] =	ssyncadd.s32 $0xFFFFFC00  }
0x19: {  	[tilespmem:s10], [sflag:$0x1] =	stream.linear.gather [hbm4b:s19+s20], $0x400, $0x38;
	[tilespmem:$0x1BD28] =	vst v63  }
0x1a: {  	_ =	swait.ge [sflag:s8], $0x400  }
0x1b: {  	s19 =	sadd.s32 $0x10000, s17;
	[sflag:s8] =	ssyncset.done $0x0  }
0x1c: {  	s21 =	sadd.s32 s1, s19;
	[sflag:s8] =	ssyncadd.s32 $0xFFFFFC00  }
0x1d: {  	[tilespmem:s11], [sflag:$0x1] =	stream.linear.gather [hbm4b:s21+s20], $0x400, $0x38;
	[tilespmem:$0x1BD28] =	vst v63  }
0x1e: {  	_ =	swait.ge [sflag:s8], $0x400  }
0x1f: {  	[sflag:s8] =	ssyncset.done $0x0  }
0x20: {  	s20 =	simm.s32 $0x0;
	[sflag:s8] =	ssyncadd.s32 $0xFFFFFC00  }
0x21: {  	v0 =	vld [tilespmem:s20+$0x1A528]  }
0x22: {  	v1 =	vld [tilespmem:s20+$0x1A928]  }
0x23: {  	v2 =	vld [tilespmem:s20+$0x1AD28];
	_ =	sdelay $0x3  }
0x24: {  	v0 =	vmul.f32 $3.200000000e+01, v0;
	v1 =	vmul.f32 $3.200000000e+01, v1  }
0x25: {  	v2 =	vmul.f32 $3.200000000e+01, v2  }
0x26: {  	v0 =	vmax.f32 v0, $0.0e+00;
	v1 =	vmax.f32 v1, $0.0e+00  }
0x27: {  	v2 =	vmax.f32 v2, $0.0e+00;
	v0 =	vmin.f32 v0, $3.200000000e+01;
	v1 =	vmin.f32 v1, $3.200000000e+01  }
0x28: {  	v2 =	vmin.f32 v2, $3.200000000e+01;
	v3 =	vtrunc.f32 v0;
	v4 =	vtrunc.f32 v1  }
0x29: {  	v5 =	vtrunc.f32 v2;
	v3 =	vcvt.f32.s32 v3  }
0x2a: {  	v4 =	vcvt.f32.s32 v4;
	v5 =	vcvt.f32.s32 v5  }
0x2b: {  	v6 =	vcvt.s32.f32 v3  }
0x2c: {  	v7 =	vcvt.s32.f32 v4;
	v8 =	vmul.u32 $0x441, v5;
	v9 =	vmul.u32 $0x21, v4  }
0x2d: {  	v10 =	vcvt.s32.f32 v5;
	v5 =	vadd.s32 $0x1, v5;
	v4 =	vadd.s32 $0x1, v4  }
0x2e: {  	v11 =	vadd.s32 $0x1, v3;
	vm0 =	vlt.s32 v4, $0x20;
	v12 =	vadd.s32 v9, v8  }
0x2f: {  	vm1 =	vlt.s32 v11, $0x20;
	v4 =	vnsel vm0, $0x20, v4;
	v13 =	vadd.s32 v3, v12  }
0x30: {  	vm15 =	vlt.s32 v5, $0x20;
	v11 =	vnsel vm1, $0x20, v11;
	v4 =	vmul.u32 $0x21, v4  }
0x31: {  	v1 =	vsub.f32 v1, v7;
	v2 =	vsub.f32 v2, v10;
	v12 =	vadd.s32 v11, v12  }
0x32: {  	v5 =	vnsel vm15, $0x20, v5;
	v0 =	vsub.f32 v0, v6;
	v7 =	vadd.s32 v8, v4  }
0x33: {  	v10 =	vsub.f32 $1.000000000e+00, v1;
	v6 =	vsub.f32 $1.000000000e+00, v2;
	v8 =	vadd.s32 v3, v7  }
0x34: {  	v5 =	vmul.u32 $0x441, v5;
	v14 =	vld.idx.msk [tilespmem:v13+s2+$0x0], $0xffff  }
0x35: {  	v16 =	vsub.f32 $1.000000000e+00, v0;
	v15 =	vadd.s32 v11, v7;
	v17 =	vmul.f32 v6, v10  }
0x36: {  	v9 =	vadd.s32 v9, v5;
	v18 =	vld.idx.msk [tilespmem:v12+s2+$0x0], $0xffff  }
0x37: {  	v19 =	vadd.s32 v3, v9;
	v7 =	vmul.f32 v17, v16  }
0x38: {  	v4 =	vadd.s32 v4, v5;
	v21 =	vmul.f32 v6, v1;
	v20 =	vld.idx.msk [tilespmem:v8+s2+$0x0], $0xffff  }
0x39: {  	v9 =	vadd.s32 v11, v9;
	v6 =	vmul.f32 v17, v0;
	v14 =	vmul.f32 v7, v14  }
0x3a: {  	v22 =	vadd.s32 v3, v4;
	v17 =	vld.idx.msk [tilespmem:v15+s2+$0x0], $0xffff  }
0x3b: {  	v5 =	vmul.f32 v21, v16;
	v3 =	vadd.f32 $0.0e+00, v14;
	v14 =	vmul.f32 v6, v18  }
0x3c: {  	v11 =	vadd.s32 v11, v4;
	v10 =	vmul.f32 v10, v2;
	v18 =	vld.idx.msk [tilespmem:v19+s2+$0x0], $0xffff  }
0x3d: {  	v4 =	vmul.f32 v21, v0;
	v20 =	vmul.f32 v5, v20;
	v14 =	vadd.f32 v3, v14  }
0x3e: {  	v60 =	vld.idx.msk [tilespmem:v9+s2+$0x0], $0xffff  }
0x3f: {  	v17 =	vmul.f32 v4, v17;
	v3 =	vmul.f32 v10, v16;
	v14 =	vadd.f32 v14, v20  }
0x40: {  	v23 =	vmul.f32 v2, v1;
	v20 =	vld.idx.msk [tilespmem:v22+s2+$0x0], $0xffff  }
0x41: {  	v2 =	vmul.f32 v10, v0;
	v10 =	vadd.f32 v14, v17;
	v14 =	vmul.f32 v3, v18  }
0x42: {  	v17 =	vld.idx.msk [tilespmem:v11+s2+$0x0], $0xffff  }
0x43: {  	v1 =	vmul.f32 v23, v16;
	v10 =	vadd.f32 v10, v14;
	v14 =	vmul.f32 v2, v60;
	_ =	sdelay $0x1  }
0x44: {  	v0 =	vmul.f32 v23, v0;
	v10 =	vadd.f32 v10, v14;
	v14 =	vmul.f32 v1, v20;
	_ =	sdelay $0x1  }
0x45: {  	v16 =	vadd.s32 $0x8C61, v13;
	v10 =	vadd.f32 v10, v14;
	v14 =	vmul.f32 v0, v17;
	_ =	sdelay $0x1  }
0x46: {  	v10 =	vadd.f32 v10, v14;
	v14 =	vadd.s32 $0x8C61, v12;
	_ =	sdelay $0x1  }
0x47: {  	[tilespmem:s20+$0x1B128] =	vst v10;
	v10 =	vadd.s32 $0x8C61, v8  }
0x48: {  	v16 =	vld.idx.msk [tilespmem:v16+s2+$0x0], $0xffff  }
0x49: {  	v17 =	vadd.s32 $0x8C61, v15  }
0x4a: {  	v14 =	vld.idx.msk [tilespmem:v14+s2+$0x0], $0xffff  }
0x4b: {  	v18 =	vadd.s32 $0x8C61, v19  }
0x4c: {  	v10 =	vld.idx.msk [tilespmem:v10+s2+$0x0], $0xffff  }
0x4d: {  	v20 =	vadd.s32 $0x8C61, v9;
	v16 =	vmul.f32 v16, v7  }
0x4e: {  	v17 =	vld.idx.msk [tilespmem:v17+s2+$0x0], $0xffff  }
0x4f: {  	v61 =	vadd.s32 $0x8C61, v22;
	v16 =	vadd.f32 $0.0e+00, v16;
	v14 =	vmul.f32 v14, v6  }
0x50: {  	v18 =	vld.idx.msk [tilespmem:v18+s2+$0x0], $0xffff  }
0x51: {  	v62 =	vadd.s32 $0x8C61, v11;
	v14 =	vadd.f32 v14, v16;
	v10 =	vmul.f32 v10, v5  }
0x52: {  	v16 =	vld.idx.msk [tilespmem:v20+s2+$0x0], $0xffff  }
0x53: {  	v10 =	vadd.f32 v10, v14;
	v14 =	vmul.f32 v17, v4  }
0x54: {  	v17 =	vld.idx.msk [tilespmem:v61+s2+$0x0], $0xffff  }
0x55: {  	v10 =	vadd.f32 v14, v10;
	v14 =	vmul.f32 v18, v3  }
0x56: {  	v18 =	vld.idx.msk [tilespmem:v62+s2+$0x0], $0xffff  }
0x57: {  	v10 =	vadd.f32 v14, v10;
	v14 =	vmul.f32 v16, v2;
	_ =	sdelay $0x1  }
0x58: {  	v10 =	vadd.f32 v14, v10;
	v14 =	vmul.f32 v17, v1;
	_ =	sdelay $0x1  }
0x59: {  	v13 =	vadd.s32 $0x118C2, v13;
	v10 =	vadd.f32 v14, v10;
	v14 =	vmul.f32 v18, v0  }
0x5a: {  	s21 =	simm.s32 $0x10;
	v12 =	vadd.s32 $0x118C2, v12  }
0x5b: {  	v8 =	vadd.s32 $0x118C2, v8;
	v63 =	vld [tilespmem:s21+$0x1AD28];
	v10 =	vadd.f32 v14, v10  }
0x5c: {  	v20 =	vadd.s32 $0x118C2, v15;
	v18 =	vld [tilespmem:s21+$0x1A528]  }
0x5d: {  	v19 =	vadd.s32 $0x118C2, v19;
	v14 =	vld [tilespmem:s21+$0x1A928];
	[tilespmem:s20+$0x1B528] =	vst v10  }
0x5e: {  	v16 =	vadd.s32 $0x118C2, v9;
	v17 =	vld.idx.msk [tilespmem:v13+s2+$0x0], $0xffff  }
0x5f: {  	v15 =	vld.idx.msk [tilespmem:v12+s2+$0x0], $0xffff;
	v12 =	vadd.s32 $0x118C2, v22  }
0x60: {  	v11 =	vadd.s32 $0x118C2, v11;
	v10 =	vld.idx.msk [tilespmem:v8+s2+$0x0], $0xffff  }
0x61: {  	v13 =	vmul.f32 $3.200000000e+01, v18;
	v9 =	vld.idx.msk [tilespmem:v20+s2+$0x0], $0xffff  }
0x62: {  	s22 =	simm.s32 $0x80;
	v18 =	vmul.f32 $3.200000000e+01, v63;
	v8 =	vld.idx.msk [tilespmem:v19+s2+$0x0], $0xffff;
	v14 =	vmul.f32 $3.200000000e+01, v14  }
.LBB2_3:
0x63: {  	p0 =	sne.s32 s22, $0xFC0;
	v13 =	vmax.f32 v13, $0.0e+00;
	v16 =	vld.idx.msk [tilespmem:v16+s2+$0x0], $0xffff  }
0x64: {  	v7 =	vmul.f32 v17, v7;
	v14 =	vmax.f32 v14, $0.0e+00;
	v18 =	vmax.f32 v18, $0.0e+00;
	v12 =	vld.idx.msk [tilespmem:v12+s2+$0x0], $0xffff  }
0x65: {  	v13 =	vmin.f32 v13, $3.200000000e+01;
	v14 =	vmin.f32 v14, $3.200000000e+01;
	v17 =	vmin.f32 v18, $3.200000000e+01;
	v11 =	vld.idx.msk [tilespmem:v11+s2+$0x0], $0xffff  }
0x66: {  	v6 =	vmul.f32 v15, v6;
	v18 =	vtrunc.f32 v13;
	v7 =	vadd.f32 $0.0e+00, v7  }
0x67: {  	v15 =	vtrunc.f32 v14;
	v19 =	vtrunc.f32 v17  }
0x68: {  	v5 =	vmul.f32 v10, v5;
	v18 =	vcvt.f32.s32 v18;
	v6 =	vadd.f32 v6, v7  }
0x69: {  	v7 =	vcvt.f32.s32 v15;
	v10 =	vcvt.f32.s32 v19  }
0x6a: {  	v4 =	vmul.f32 v9, v4;
	v15 =	vcvt.s32.f32 v18;
	v5 =	vadd.f32 v5, v6  }
0x6b: {  	v6 =	vcvt.s32.f32 v7;
	v9 =	vcvt.s32.f32 v10;
	v19 =	vadd.s32 $0x1, v10  }
0x6c: {  	v3 =	vmul.f32 v8, v3;
	v20 =	vadd.s32 $0x1, v18;
	v4 =	vadd.f32 v4, v5  }
0x6d: {  	v10 =	vmul.u32 $0x441, v10;
	v5 =	vadd.s32 $0x1, v7;
	v7 =	vmul.u32 $0x21, v7  }
0x6e: {  	v2 =	vmul.f32 v16, v2;
	vm0 =	vlt.s32 v19, $0x20;
	v3 =	vadd.f32 v3, v4  }
0x6f: {  	vm1 =	vlt.s32 v20, $0x20;
	vm2 =	vlt.s32 v5, $0x20;
	v4 =	vnsel vm0, $0x20, v19  }
0x70: {  	v1 =	vmul.f32 v12, v1;
	v5 =	vnsel vm2, $0x20, v5;
	v2 =	vadd.f32 v2, v3  }
0x71: {  	v12 =	vadd.s32 v7, v10;
	v5 =	vmul.u32 $0x21, v5;
	v3 =	vnsel vm1, $0x20, v20  }
0x72: {  	v0 =	vmul.f32 v11, v0;
	v8 =	vadd.s32 v18, v12;
	v1 =	vadd.f32 v1, v2  }
0x73: {  	v4 =	vmul.u32 $0x441, v4;
	v11 =	vadd.s32 v3, v12;
	v2 =	vadd.s32 v10, v5  }
0x74: {  	v16 =	vsub.f32 v14, v6;
	v10 =	vadd.s32 v18, v2;
	v0 =	vadd.f32 v0, v1  }
0x75: {  	v6 =	vadd.s32 v7, v4;
	v12 =	vadd.s32 v3, v2;
	v1 =	vsub.f32 v17, v9  }
0x76: {  	v2 =	vsub.f32 $1.000000000e+00, v16;
	v17 =	vsub.f32 v13, v15;
	v9 =	vadd.s32 v3, v6;
	[tilespmem:s20+$0x1B928] =	vst v0;
	s20 =	smov.u32 s21  }
0x77: {  	v4 =	vadd.s32 v5, v4;
	v15 =	vadd.s32 v18, v6;
	v0 =	vsub.f32 $1.000000000e+00, v1;
	v5 =	vld.idx.msk [tilespmem:v8+s2+$0x0], $0xffff  }
0x78: {  	v13 =	vadd.s32 v18, v4;
	v18 =	vld.idx.msk [tilespmem:v11+s2+$0x0], $0xffff  }
0x79: {  	v14 =	vadd.s32 v3, v4;
	v19 =	vsub.f32 $1.000000000e+00, v17;
	v6 =	vmul.f32 v0, v2;
	v3 =	vld.idx.msk [tilespmem:v10+s2+$0x0], $0xffff  }
0x7a: {  	v20 =	vld.idx.msk [tilespmem:v12+s2+$0x0], $0xffff  }
0x7b: {  	v7 =	vmul.f32 v6, v19;
	v21 =	vld.idx.msk [tilespmem:v9+s2+$0x0], $0xffff  }
0x7c: {  	v0 =	vmul.f32 v0, v16;
	v22 =	vld.idx.msk [tilespmem:v15+s2+$0x0], $0xffff  }
0x7d: {  	v6 =	vmul.f32 v6, v17;
	v4 =	vmul.f32 v7, v5;
	v23 =	vld.idx.msk [tilespmem:v13+s2+$0x0], $0xffff  }
0x7e: {  	v24 =	vld.idx.msk [tilespmem:v14+s2+$0x0], $0xffff  }
0x7f: {  	v5 =	vmul.f32 v0, v19;
	v18 =	vmul.f32 v6, v18;
	v25 =	vadd.f32 $0.0e+00, v4  }
0x80: {  	v2 =	vmul.f32 v2, v1  }
0x81: {  	v4 =	vmul.f32 v0, v17;
	v0 =	vadd.f32 v25, v18;
	v18 =	vmul.f32 v5, v3;
	_ =	sdelay $0x1  }
0x82: {  	v3 =	vmul.f32 v2, v19;
	v0 =	vadd.f32 v0, v18;
	v18 =	vmul.f32 v4, v20  }
0x83: {  	v16 =	vmul.f32 v1, v16  }
0x84: {  	v2 =	vmul.f32 v2, v17;
	v0 =	vadd.f32 v0, v18;
	v18 =	vmul.f32 v3, v22;
	_ =	sdelay $0x1  }
0x85: {  	v1 =	vmul.f32 v16, v19;
	v19 =	vmul.f32 v2, v21;
	v18 =	vadd.f32 v0, v18;
	_ =	sdelay $0x1  }
0x86: {  	v0 =	vmul.f32 v16, v17;
	v17 =	vmul.f32 v1, v23;
	v16 =	vadd.f32 v18, v19;
	_ =	sdelay $0x1  }
0x87: {  	v18 =	vadd.s32 $0x8C61, v8;
	v16 =	vadd.f32 v16, v17;
	v17 =	vmul.f32 v0, v24  }
0x88: {  	v19 =	vadd.s32 $0x8C61, v13  }
0x89: {  	v16 =	vadd.f32 v16, v17;
	v17 =	vadd.s32 $0x8C61, v11  }
0x8a: {  	v20 =	vadd.s32 $0x8C61, v14  }
0x8b: {  	[tilespmem:s20+$0x1B128] =	vst v16;
	v16 =	vadd.s32 $0x8C61, v10  }
0x8c: {  	v18 =	vld.idx.msk [tilespmem:v18+s2+$0x0], $0xffff  }
0x8d: {  	v21 =	vadd.s32 $0x8C61, v12;
	v19 =	vld.idx.msk [tilespmem:v19+s2+$0x0], $0xffff  }
0x8e: {  	v17 =	vld.idx.msk [tilespmem:v17+s2+$0x0], $0xffff  }
0x8f: {  	v22 =	vadd.s32 $0x8C61, v15;
	v20 =	vld.idx.msk [tilespmem:v20+s2+$0x0], $0xffff  }
0x90: {  	v16 =	vld.idx.msk [tilespmem:v16+s2+$0x0], $0xffff  }
0x91: {  	v23 =	vadd.s32 $0x8C61, v9  }
0x92: {  	v18 =	vmul.f32 v18, v7;
	v21 =	vld.idx.msk [tilespmem:v21+s2+$0x0], $0xffff;
	_ =	sdelay $0x1  }
0x93: {  	v18 =	vadd.f32 $0.0e+00, v18;
	v17 =	vmul.f32 v17, v6;
	v22 =	vld.idx.msk [tilespmem:v22+s2+$0x0], $0xffff;
	_ =	sdelay $0x1  }
0x94: {  	v17 =	vadd.f32 v17, v18;
	v16 =	vmul.f32 v16, v5;
	v18 =	vld.idx.msk [tilespmem:v23+s2+$0x0], $0xffff;
	_ =	sdelay $0x1  }
0x95: {  	v16 =	vadd.f32 v16, v17;
	v17 =	vmul.f32 v21, v4;
	_ =	sdelay $0x1  }
0x96: {  	v16 =	vadd.f32 v17, v16;
	v17 =	vmul.f32 v22, v3;
	_ =	sdelay $0x1  }
0x97: {  	v16 =	vadd.f32 v17, v16;
	v17 =	vmul.f32 v18, v2;
	_ =	sdelay $0x1  }
0x98: {  	v16 =	vadd.f32 v17, v16;
	v17 =	vmul.f32 v19, v1;
	_ =	sdelay $0x1  }
0x99: {  	v8 =	vadd.s32 $0x118C2, v8;
	v16 =	vadd.f32 v17, v16;
	v17 =	vmul.f32 v20, v0  }
0x9a: {  	s21 =	sshra.s32 s22, $0x2;
	v11 =	vadd.s32 $0x118C2, v11  }
0x9b: {  	v10 =	vadd.s32 $0x118C2, v10;
	v16 =	vadd.f32 v17, v16;
	v18 =	vld [tilespmem:s21+$0x1A528]  }
0x9c: {  	v20 =	vadd.s32 $0x118C2, v12;
	v19 =	vld [tilespmem:s21+$0x1A928]  }
0x9d: {  	v22 =	vadd.s32 $0x118C2, v15;
	v21 =	vld [tilespmem:s21+$0x1AD28];
	[tilespmem:s20+$0x1B528] =	vst v16  }
.Ltmp0:
0x9e: {  	v16 =	vadd.s32 $0x118C2, v9;
	v17 =	vld.idx.msk [tilespmem:v8+s2+$0x0], $0xffff;
	(pc) =	sbr.rel @p0 .LBB2_3-.Ltmp0, $4  }
0x9f: {  	v12 =	vadd.s32 $0x118C2, v13;
	v15 =	vld.idx.msk [tilespmem:v11+s2+$0x0], $0xffff  }
0xa0: {  	v11 =	vadd.s32 $0x118C2, v14;
	v10 =	vld.idx.msk [tilespmem:v10+s2+$0x0], $0xffff  }
0xa1: {  	v13 =	vmul.f32 $3.200000000e+01, v18;
	v9 =	vld.idx.msk [tilespmem:v20+s2+$0x0], $0xffff  }
0xa2: {  	s22 =	sadd.s32 $0x40, s22;
	v14 =	vmul.f32 $3.200000000e+01, v19;
	v18 =	vmul.f32 $3.200000000e+01, v21;
	v8 =	vld.idx.msk [tilespmem:v22+s2+$0x0], $0xffff  }
0xa3: {  	_ =	sdelay $0x1  }
0xa4: {  	v7 =	vmul.f32 v17, v7  }
0xa5: {  	v13 =	vmax.f32 v13, $0.0e+00;
	v14 =	vmax.f32 v14, $0.0e+00;
	v35 =	vmax.f32 v18, $0.0e+00  }
0xa6: {  	v39 =	vld.idx.msk [tilespmem:v16+s2+$0x0], $0xffff;
	v13 =	vmin.f32 v13, $3.200000000e+01;
	v6 =	vmul.f32 v15, v6;
	v7 =	vadd.f32 $0.0e+00, v7  }
0xa7: {  	v43 =	vld.idx.msk [tilespmem:v12+s2+$0x0], $0xffff;
	v14 =	vmin.f32 v14, $3.200000000e+01;
	v36 =	vmin.f32 v35, $3.200000000e+01;
	v37 =	vtrunc.f32 v13  }
0xa8: {  	v47 =	vld.idx.msk [tilespmem:v11+s2+$0x0], $0xffff;
	v5 =	vmul.f32 v10, v5;
	v38 =	vtrunc.f32 v14;
	v6 =	vadd.f32 v6, v7  }
0xa9: {  	v40 =	vtrunc.f32 v36;
	v41 =	vcvt.f32.s32 v37  }
0xaa: {  	v4 =	vmul.f32 v9, v4;
	v42 =	vcvt.f32.s32 v38;
	v5 =	vadd.f32 v5, v6  }
0xab: {  	v44 =	vcvt.f32.s32 v40;
	v3 =	vmul.f32 v8, v3  }
0xac: {  	v45 =	vcvt.s32.f32 v41;
	v2 =	vmul.f32 v39, v2;
	v4 =	vadd.f32 v4, v5  }
0xad: {  	v50 =	vadd.s32 $0x1, v41;
	v1 =	vmul.f32 v43, v1;
	v0 =	vmul.f32 v47, v0  }
0xae: {  	v46 =	vcvt.s32.f32 v42;
	v48 =	vcvt.s32.f32 v44;
	v3 =	vadd.f32 v3, v4  }
0xaf: {  	v49 =	vadd.s32 $0x1, v44;
	v51 =	vmul.u32 $0x441, v44;
	v52 =	vmul.u32 $0x21, v42  }
0xb0: {  	v19 =	vadd.s32 $0x1, v42;
	vm2 =	vlt.s32 v50, $0x20;
	v2 =	vadd.f32 v2, v3  }
0xb1: {  	vm0 =	vlt.s32 v49, $0x20;
	vm1 =	vlt.s32 v19, $0x20;
	v54 =	vadd.s32 v52, v51  }
0xb2: {  	v53 =	vnsel vm1, $0x20, v19;
	v9 =	vadd.s32 v41, v54;
	v1 =	vadd.f32 v1, v2  }
0xb3: {  	v55 =	vnsel vm2, $0x20, v50;
	v56 =	vsub.f32 v14, v46;
	v3 =	vmul.u32 $0x21, v53  }
0xb4: {  	v57 =	vsub.f32 v36, v48;
	v6 =	vadd.s32 v55, v54;
	v0 =	vadd.f32 v0, v1  }
0xb5: {  	v10 =	vsub.f32 v13, v45;
	v58 =	vnsel vm0, $0x20, v49;
	v4 =	vadd.s32 v51, v3  }
0xb6: {  	v12 =	vsub.f32 $1.000000000e+00, v56;
	v60 =	vsub.f32 $1.000000000e+00, v57;
	v59 =	vadd.s32 v41, v4;
	[tilespmem:s20+$0x1B928] =	vst v0  }
0xb7: {  	v8 =	vmul.u32 $0x441, v58;
	v61 =	vld.idx.msk [tilespmem:v9+s2+$0x0], $0xffff  }
0xb8: {  	v62 =	vsub.f32 $1.000000000e+00, v10;
	v63 =	vmul.f32 v60, v12;
	v4 =	vadd.s32 v55, v4  }
0xb9: {  	v7 =	vadd.s32 v52, v8;
	v24 =	vld.idx.msk [tilespmem:v6+s2+$0x0], $0xffff  }
0xba: {  	v25 =	vadd.s32 v41, v7;
	v26 =	vmul.f32 v63, v62  }
0xbb: {  	v7 =	vadd.s32 v55, v7;
	v27 =	vmul.f32 v63, v10;
	v20 =	vld.idx.msk [tilespmem:v59+s2+$0x0], $0xffff  }
0xbc: {  	v3 =	vadd.s32 v3, v8;
	v0 =	vmul.f32 v60, v56;
	v13 =	vmul.f32 v26, v61  }
0xbd: {  	v28 =	vadd.s32 v41, v3;
	v29 =	vld.idx.msk [tilespmem:v4+s2+$0x0], $0xffff  }
0xbe: {  	v21 =	vmul.f32 v0, v62;
	v17 =	vmul.f32 v27, v24;
	v13 =	vadd.f32 $0.0e+00, v13  }
0xbf: {  	v12 =	vmul.f32 v12, v57;
	v2 =	vadd.s32 v55, v3;
	v30 =	vld.idx.msk [tilespmem:v25+s2+$0x0], $0xffff  }
0xc0: {  	v0 =	vmul.f32 v0, v10;
	v31 =	vmul.f32 v21, v20;
	v13 =	vadd.f32 v13, v17  }
0xc1: {  	v32 =	vld.idx.msk [tilespmem:v7+s2+$0x0], $0xffff  }
0xc2: {  	v22 =	vmul.f32 v12, v62;
	v16 =	vmul.f32 v0, v29;
	v13 =	vadd.f32 v13, v31  }
0xc3: {  	v34 =	vmul.f32 v12, v10;
	v33 =	vld.idx.msk [tilespmem:v28+s2+$0x0], $0xffff  }
0xc4: {  	v1 =	vmul.f32 v57, v56;
	v3 =	vmul.f32 v22, v30;
	v35 =	vadd.f32 v13, v16  }
0xc5: {  	v36 =	vld.idx.msk [tilespmem:v2+s2+$0x0], $0xffff  }
0xc6: {  	v14 =	vmul.f32 v1, v62;
	v37 =	vmul.f32 v34, v32;
	v3 =	vadd.f32 v35, v3;
	_ =	sdelay $0x1  }
0xc7: {  	v1 =	vmul.f32 v1, v10;
	v38 =	vmul.f32 v14, v33;
	v3 =	vadd.f32 v3, v37;
	_ =	sdelay $0x1  }
0xc8: {  	v40 =	vadd.s32 $0x8C61, v9;
	v39 =	vmul.f32 v1, v36;
	v3 =	vadd.f32 v3, v38;
	_ =	sdelay $0x1  }
0xc9: {  	v41 =	vadd.s32 $0x8C61, v6;
	v3 =	vadd.f32 v3, v39;
	_ =	sdelay $0x1  }
0xca: {  	v42 =	vadd.s32 $0x8C61, v59;
	[tilespmem:s21+$0x1B128] =	vst v3  }
0xcb: {  	v12 =	vld.idx.msk [tilespmem:v40+s2+$0x0], $0xffff  }
0xcc: {  	v43 =	vadd.s32 $0x8C61, v4  }
0xcd: {  	v10 =	vld.idx.msk [tilespmem:v41+s2+$0x0], $0xffff  }
0xce: {  	v44 =	vadd.s32 $0x8C61, v25  }
0xcf: {  	v3 =	vld.idx.msk [tilespmem:v42+s2+$0x0], $0xffff  }
0xd0: {  	v45 =	vadd.s32 $0x8C61, v7;
	v12 =	vmul.f32 v12, v26  }
0xd1: {  	v13 =	vld.idx.msk [tilespmem:v43+s2+$0x0], $0xffff  }
0xd2: {  	v46 =	vadd.s32 $0x8C61, v28;
	v10 =	vmul.f32 v10, v27;
	v12 =	vadd.f32 $0.0e+00, v12  }
0xd3: {  	v16 =	vld.idx.msk [tilespmem:v44+s2+$0x0], $0xffff  }
0xd4: {  	v23 =	vadd.s32 $0x8C61, v2;
	v3 =	vmul.f32 v3, v21;
	v10 =	vadd.f32 v10, v12  }
0xd5: {  	v47 =	vld.idx.msk [tilespmem:v45+s2+$0x0], $0xffff  }
0xd6: {  	v48 =	vmul.f32 v13, v0;
	v3 =	vadd.f32 v3, v10  }
0xd7: {  	v49 =	vld.idx.msk [tilespmem:v46+s2+$0x0], $0xffff  }
0xd8: {  	v50 =	vmul.f32 v16, v22;
	v3 =	vadd.f32 v48, v3  }
0xd9: {  	v51 =	vld.idx.msk [tilespmem:v23+s2+$0x0], $0xffff  }
0xda: {  	v52 =	vmul.f32 v47, v34;
	v3 =	vadd.f32 v50, v3;
	_ =	sdelay $0x1  }
0xdb: {  	v53 =	vmul.f32 v49, v14;
	v3 =	vadd.f32 v52, v3;
	_ =	sdelay $0x1  }
0xdc: {  	v9 =	vadd.s32 $0x118C2, v9;
	v54 =	vmul.f32 v51, v1;
	v3 =	vadd.f32 v53, v3;
	_ =	sdelay $0x1  }
0xdd: {  	v6 =	vadd.s32 $0x118C2, v6;
	v3 =	vadd.f32 v54, v3;
	_ =	sdelay $0x1  }
0xde: {  	v55 =	vadd.s32 $0x118C2, v59;
	[tilespmem:s21+$0x1B528] =	vst v3  }
0xdf: {  	v3 =	vld.idx.msk [tilespmem:v9+s2+$0x0], $0xffff  }
0xe0: {  	v4 =	vadd.s32 $0x118C2, v4  }
0xe1: {  	v6 =	vld.idx.msk [tilespmem:v6+s2+$0x0], $0xffff  }
0xe2: {  	v56 =	vadd.s32 $0x118C2, v25  }
0xe3: {  	v10 =	vld.idx.msk [tilespmem:v55+s2+$0x0], $0xffff  }
0xe4: {  	v7 =	vadd.s32 $0x118C2, v7;
	v3 =	vmul.f32 v3, v26  }
0xe5: {  	v4 =	vld.idx.msk [tilespmem:v4+s2+$0x0], $0xffff  }
0xe6: {  	v57 =	vadd.s32 $0x118C2, v28;
	v6 =	vmul.f32 v6, v27;
	v3 =	vadd.f32 $0.0e+00, v3  }
0xe7: {  	v58 =	vld.idx.msk [tilespmem:v56+s2+$0x0], $0xffff  }
0xe8: {  	v2 =	vadd.s32 $0x118C2, v2;
	v59 =	vmul.f32 v10, v21;
	v3 =	vadd.f32 v6, v3  }
0xe9: {  	v7 =	vld.idx.msk [tilespmem:v7+s2+$0x0], $0xffff  }
0xea: {  	v0 =	vmul.f32 v4, v0;
	v3 =	vadd.f32 v59, v3  }
0xeb: {  	v60 =	vld.idx.msk [tilespmem:v57+s2+$0x0], $0xffff  }
0xec: {  	v61 =	vmul.f32 v58, v22;
	v0 =	vadd.f32 v0, v3  }
0xed: {  	v2 =	vld.idx.msk [tilespmem:v2+s2+$0x0], $0xffff  }
0xee: {  	v62 =	vmul.f32 v7, v34;
	v0 =	vadd.f32 v61, v0;
	_ =	sdelay $0x1  }
0xef: {  	v63 =	vmul.f32 v60, v14;
	v0 =	vadd.f32 v62, v0;
	_ =	sdelay $0x1  }
0xf0: {  	v1 =	vmul.f32 v2, v1;
	v0 =	vadd.f32 v63, v0;
	_ =	sdelay $0x1  }
0xf1: {  	v0 =	vadd.f32 v1, v0;
	_ =	sdelay $0x1  }
0xf2: {  	s17 =	sadd.s32 s5, s17;
	[tilespmem:s21+$0x1B928] =	vst v0  }
0xf3: {  	[hbm4b:s17+s2] =	stream.linear.scatter [tilespmem:s12], [sflag:$0x1], $0x400, $0x38;
	[tilespmem:$0x1BD28] =	vst v63  }
0xf4: {  	_ =	swait.ge [sflag:s8], $0x400  }
0xf5: {  	[sflag:s8] =	ssyncset.done $0x0  }
0xf6: {  	s30 =	sadd.s32 s5, s18;
	[sflag:s8] =	ssyncadd.s32 $0xFFFFFC00  }
0xf7: {  	[hbm4b:s30+s2] =	stream.linear.scatter [tilespmem:s13], [sflag:$0x1], $0x400, $0x38;
	[tilespmem:$0x1BD28] =	vst v63  }
0xf8: {  	s16 =	sadd.s32 $0x1, s16;
	_ =	swait.ge [sflag:s8], $0x400  }
0xf9: {  	p0 =	sne.s32 s16, $0x40;
	[sflag:s8] =	ssyncset.done $0x0  }
.Ltmp1:
0xfa: {  	s31 =	sadd.s32 s5, s19;
	[sflag:s8] =	ssyncadd.s32 $0xFFFFFC00;
	(pc) =	sbr.rel @p0 .LBB2_2-.Ltmp1, $4  }
0xfb: {  	[hbm4b:s31+s2] =	stream.linear.scatter [tilespmem:s14], [sflag:$0x1], $0x400, $0x38;
	[tilespmem:$0x1BD28] =	vst v63  }
0xfc: {  	_ =	swait.ge [sflag:s8], $0x400  }
0xfd: {  	[sflag:s8] =	ssyncset.done $0x0  }
0xfe: {  	[sflag:s8] =	ssyncadd.s32 $0xFFFFFC00  }
0xff: {  	s15 =	sadd.s32 $0x1, s15  }
0x100: {  	p0 =	sne.s32 s15, s7  }
.Ltmp2:
0x101: {  	_ = 	snop;
	(pc) =	sbr.rel @p0 .LBB2_1-.Ltmp2, $1  }
0x102: {  	_ =	sdelay $0x3  }
0x103: {  	_ =	sfence.sel $0x180000  }
0x104: {  	[bflag:$0x0] =	sbarrier.arrive $0xFFFF  }
0x105: {  	p0 =	sne.s32 s3, $0x0;
	_ =	strace $0x90000047  }
0x106: {  	s0 =	sadd.s32 @!p0 $0x100000, s0;
	[bflag:$0x2] =	sbarrier.arrive $0xFFFF  }
0x107: {  	[sflag:s0] =	ssyncadd.tile.s32 @!p0 $0x1;
	_ =	shalt  }
.Lfunc_end2:
_tile_overlayer_lowered:
.L_overlay_start_2:
0x108: {  	(tag) =	ssettag $0x2  }
0x109: {  	s0 =	rddreg [dreg:$0x0];
	s2 =	stileid.u32  }
0x10a: {  	s1 =	rddreg [dreg:$0x1];
	p0 =	sne.s32 s2, $0x0  }
0x10b: {  	s3 =	rddreg [dreg:$0x2];
	[bflag:$0x3] =	sbarrier.arrive $0xFFFF;
	s2 =	simm.s32 @!p0 $0x1C01  }
0x10c: {  	[timem:s3], [sflag:s2] =	dma.local @!p0 [hbm:s0], s1  }
0x10d: {  	s0 =	simm.s32 @!p0 $0x1  }
0x10e: {  	_ =	swait.ge @!p0 [sflag:s0], s1  }
0x10f: {  	s1 =	ssub.s32 @!p0 $0x0, s1;
	[sflag:s0] =	ssyncset.done @!p0 $0x0  }
0x110: {  	[sflag:s0] =	ssyncadd.s32 @!p0 s1  }
0x111: {  	[bflag:$0x3] =	sbarrier.arrive $0xFFFF  }
0x112: {  	_ =	shalt  }

</sc_bundles>
